<compile_context>
chip_gen: v7x
topology: tpu7x:2x2x1
jax: 0.10.2.dev20260603
libtpu: 0.0.44.dev20260713+nightly
codegen_flags: <defaults>
</compile_context>

<pallas_src>
import functools

import jax
import jax.numpy as jnp
from jax import lax
from jax.experimental import pallas as pl
from jax.experimental.pallas import tpu as pltpu
from jax.experimental.pallas import tpu_sc as plsc

_ALPHA = 0.25

_ROWS = 1024
_COLS = 16384
_BLOCK_ROWS = 64

_SC_ROWS = 256

_NC, _NS, _LANES = 2, 16, 16
_NW = _NC * _NS
_ROWS_PER_WORKER = _SC_ROWS // _NW
_CHUNK_COLS = 2048
_N_CHUNKS = _COLS // _CHUNK_COLS
_VEC_PER_CHUNK = _CHUNK_COLS // _LANES

_LP = (1.4720650112765021e-06, 0.9998476974962275, -0.4973732161579119,
       0.31574731675788037, -0.19035433673294283, 0.08269123711132124,
       -0.017414077524226742)


def _tc_body(pred_ref, target_ref, out_ref, acc_ref):
    i = pl.program_id(0)

    @pl.when(i == 0)
    def _init():
        acc_ref[0] = 0.0
        acc_ref[1] = 0.0

    x = pred_ref[...]
    label = target_ref[...]
    s = x * (1.0 - 2.0 * label)
    w = (1.0 - _ALPHA) - (1.0 - 2.0 * _ALPHA) * label
    e = jnp.exp(-jnp.abs(s))
    denom = 1.0 + e
    inv = 1.0 / denom
    q = jnp.where(s >= 0.0, inv, 1.0 - inv)
    sp = jnp.maximum(s, 0.0) + jnp.log(denom)
    acc_ref[0] += jnp.sum(w * (q * q) * sp)
    acc_ref[1] += jnp.sum(label)

    @pl.when(i == pl.num_programs(0) - 1)
    def _finish():
        out_ref[0] = acc_ref[0]
        out_ref[1] = acc_ref[1]


def _tc_partials(pred, target):
    n_rows = _ROWS - _SC_ROWS
    grid = n_rows // _BLOCK_ROWS
    row0 = _SC_ROWS // _BLOCK_ROWS
    return pl.pallas_call(
        _tc_body,
        grid=(grid,),
        in_specs=[
            pl.BlockSpec((_BLOCK_ROWS, _COLS), lambda i: (i + row0, 0)),
            pl.BlockSpec((_BLOCK_ROWS, _COLS), lambda i: (i + row0, 0)),
        ],
        out_specs=pl.BlockSpec(memory_space=pltpu.SMEM),
        out_shape=jax.ShapeDtypeStruct((2,), jnp.float32),
        scratch_shapes=[pltpu.SMEM((2,), jnp.float32)],
    )(pred, target)


def _sc_body(pred_hbm, target_hbm, loss_hbm, pos_hbm,
             px0, pt0, px1, pt1, accv, sem0, sem1):
    wid = lax.axis_index("s") * _NC + lax.axis_index("c")
    row0 = wid * _ROWS_PER_WORKER
    bufs = ((px0, pt0, sem0), (px1, pt1, sem1))

    def issue(j, pxb, ptb, sem):
        col0 = j * _CHUNK_COLS
        pltpu.async_copy(
            pred_hbm.at[pl.ds(row0, _ROWS_PER_WORKER), pl.ds(col0, _CHUNK_COLS)],
            pxb, sem)
        pltpu.async_copy(
            target_hbm.at[pl.ds(row0, _ROWS_PER_WORKER), pl.ds(col0, _CHUNK_COLS)],
            ptb, sem)

    def drain(pxb, ptb, sem):
        pltpu.make_async_copy(
            pred_hbm.at[pl.ds(row0, _ROWS_PER_WORKER), pl.ds(0, _CHUNK_COLS)],
            pxb, sem).wait()
        pltpu.make_async_copy(
            target_hbm.at[pl.ds(row0, _ROWS_PER_WORKER), pl.ds(0, _CHUNK_COLS)],
            ptb, sem).wait()

    def compute(pxb, ptb, al, ap):
        def vec_body(v, c2):
            al, ap = c2
            c = v * _LANES
            for r in range(_ROWS_PER_WORKER):
                x = pxb[r, pl.ds(c, _LANES)]
                lab = ptb[r, pl.ds(c, _LANES)]
                bl = lab > 0.0
                b = (x >= 0.0) != bl
                ax = jnp.abs(x)
                e = jnp.exp(-ax)
                inv = 1.0 / (1.0 + e)
                q = jnp.where(b, inv, 1.0 - inv)
                lp = _LP[0] + e * (_LP[1] + e * (_LP[2] + e * (_LP[3] + e * (
                    _LP[4] + e * (_LP[5] + e * _LP[6])))))
                sp = jnp.where(b, ax, 0.0) + lp
                w = jnp.where(bl, 0.25, 0.75)
                al = al + (w * sp) * (q * q)
                ap = ap + lab
            return (al, ap)

        return lax.fori_loop(0, _VEC_PER_CHUNK, vec_body, (al, ap))

    issue(0, px0, pt0, sem0)
    issue(1, px1, pt1, sem1)

    def ring_body(i, carry):
        al, ap = carry
        g = 2 * i
        drain(px0, pt0, sem0)
        al, ap = compute(px0, pt0, al, ap)

        @pl.when(g + 2 < _N_CHUNKS)
        def _():
            issue(g + 2, px0, pt0, sem0)

        drain(px1, pt1, sem1)
        al, ap = compute(px1, pt1, al, ap)

        @pl.when(g + 3 < _N_CHUNKS)
        def _():
            issue(g + 3, px1, pt1, sem1)

        return (al, ap)

    zero = jnp.zeros((_LANES,), jnp.float32)
    acc_loss, acc_pos = lax.fori_loop(
        0, _N_CHUNKS // 2, ring_body, (zero, zero))

    accv[pl.ds(0, _LANES)] = acc_loss
    accv[pl.ds(_LANES, _LANES)] = acc_pos
    pltpu.sync_copy(accv.at[pl.ds(0, _LANES)],
                    loss_hbm.at[pl.ds(wid * _LANES, _LANES)])
    pltpu.sync_copy(accv.at[pl.ds(_LANES, _LANES)],
                    pos_hbm.at[pl.ds(wid * _LANES, _LANES)])


def _sc_partials(pred, target):
    mesh = plsc.VectorSubcoreMesh(
        core_axis_name="c", subcore_axis_name="s",
        num_cores=_NC, num_subcores=_NS)
    k = pl.kernel(
        _sc_body,
        out_type=(
            jax.ShapeDtypeStruct((_NW * _LANES,), jnp.float32),
            jax.ShapeDtypeStruct((_NW * _LANES,), jnp.float32),
        ),
        mesh=mesh,
        scratch_types=[
            pltpu.VMEM((_ROWS_PER_WORKER, _CHUNK_COLS), jnp.float32),
            pltpu.VMEM((_ROWS_PER_WORKER, _CHUNK_COLS), jnp.float32),
            pltpu.VMEM((_ROWS_PER_WORKER, _CHUNK_COLS), jnp.float32),
            pltpu.VMEM((_ROWS_PER_WORKER, _CHUNK_COLS), jnp.float32),
            pltpu.VMEM((2 * _LANES,), jnp.float32),
            pltpu.SemaphoreType.DMA,
            pltpu.SemaphoreType.DMA,
        ],
    )
    return k(pred, target)


def kernel(pred, target):
    sc_loss, sc_pos = _sc_partials(pred, target)
    tc_out = _tc_partials(pred, target)
    loss_sum = tc_out[0] + jnp.sum(sc_loss)
    pos_num = jnp.maximum(tc_out[1] + jnp.sum(sc_pos), 1.0)
    return loss_sum / pos_num

# --- scband reference (transcript-rebuilt; emitter-appended) ---
"""Pipeline reference for scband-focal-loss-8083128451574 (READ-ONLY COPY).

The authoritative reference and input builder live on the scoring server;
editing this copy changes nothing except your own understanding.
"""

import jax, jax.numpy as jnp
import numpy as np

ALPHA = 0.25
GAMMA = 2.0

def setup_inputs(seed: int = 0) -> dict:
    key = jax.random.key(seed)
    k1, k2 = jax.random.split(key)
    pred = jax.random.normal(k1, (1024, 16384), dtype=jnp.float32)
    target = jax.random.randint(k2, (1024, 16384), 0, 2).astype(jnp.float32)
    return {"pred": pred, "target": target}

def reference(pred, target):
    # sigmoid (use_sigmoid=True)
    p = jax.nn.sigmoid(pred)
    p = p.reshape(-1)
    label = target.reshape(-1)
    # pos_num computed on full (pre-mask) labels, clamped to >= 1
    pos_num = jnp.maximum(jnp.sum(label > 0).astype(jnp.float32), 1.0)
    # torch code filters out label == -1; equivalent under static shapes:
    # zero-out masked entries before the final sum
    valid = (label != -1.0).astype(jnp.float32)
    pos_ind = (label > 0.0).astype(jnp.float32)
    neg_ind = (label <= 0.0).astype(jnp.float32)
    focal_weight = ALPHA * jnp.power(jnp.abs(label - p), GAMMA) * pos_ind \
                 + (1.0 - ALPHA) * jnp.power(jnp.abs(p), GAMMA) * neg_ind
    # binary cross entropy, reduction='none' (clip for numerical safety like torch's log clamp)
    pc = jnp.clip(p, 1e-12, 1.0 - 1e-7)
    bce = -(label * jnp.log(pc) + (1.0 - label) * jnp.log(1.0 - pc))
    loss = bce * focal_weight * valid
    return jnp.sum(loss) / pos_num

if __name__ == "__main__":
    import jax
    _d = setup_inputs()
    print(jax.jit(kernel)(*tuple(_d.values())))

</pallas_src>

<mosaic_0001>
#map = affine_map<(d0, d1) -> (0, 0)>
#map1 = affine_map<(d0, d1) -> (0)>
module attributes {stable_mosaic.version = 14 : i64} {
  func.func @_sc_body(%arg0: i32, %arg1: i32, %arg2: memref<1024x16384xf32, #tpu.memory_space<hbm>>, %arg3: memref<1024x16384xf32, #tpu.memory_space<hbm>>, %arg4: memref<512xf32, #tpu.memory_space<hbm>>, %arg5: memref<512xf32, #tpu.memory_space<hbm>>, %arg6: memref<8x2048xf32, #tpu.memory_space<vmem>>, %arg7: memref<8x2048xf32, #tpu.memory_space<vmem>>, %arg8: memref<8x2048xf32, #tpu.memory_space<vmem>>, %arg9: memref<8x2048xf32, #tpu.memory_space<vmem>>, %arg10: memref<32xf32, #tpu.memory_space<vmem>>, %arg11: memref<!tpu.dma_semaphore, #tpu.memory_space<semaphore_mem>>, %arg12: memref<!tpu.dma_semaphore, #tpu.memory_space<semaphore_mem>>) attributes {dimension_semantics = [#tpu.dimension_semantics<core_parallel>, #tpu.dimension_semantics<subcore_parallel>], iteration_bounds = array<i64: 2, 16>, scalar_prefetch = 0 : i64, scratch_operands = 7 : i64, tpu.core_type = #tpu.core_type<sc_vector_subcore>, window_params = [{transform_indices = #map}, {transform_indices = #map}, {transform_indices = #map1}, {transform_indices = #map1}]} {
    %mul3A = arith.constant 2 : i32
    %mul3A_0 = arith.muli %arg1, %mul3A : i32
    %add3A = arith.addi %mul3A_0, %arg0 : i32
    %mul3A_1 = arith.constant 8 : i32
    %mul3A_2 = arith.muli %add3A, %mul3A_1 : i32
    %dma_start3A = arith.constant 0 : i32
    %dma_start3A_3 = tpu.memref_slice %arg2[%mul3A_2, %dma_start3A] : memref<1024x16384xf32, #tpu.memory_space<hbm>> -> memref<8x2048xf32, #tpu.memory_space<hbm>>
    %dma_start3A_4 = arith.constant 0 : i32
    %dma_start3A_5 = tpu.memref_slice %arg2[%mul3A_2, %dma_start3A_4] : memref<1024x16384xf32, #tpu.memory_space<hbm>> -> memref<8x2048xf32, #tpu.memory_space<hbm>>
    tpu.enqueue_dma source(%dma_start3A_5 : memref<8x2048xf32, #tpu.memory_space<hbm>>) target(%arg6 : memref<8x2048xf32, #tpu.memory_space<vmem>>) target_semaphore(%arg11 : memref<!tpu.dma_semaphore, #tpu.memory_space<semaphore_mem>>)
    %dma_start3A_6 = arith.constant 0 : i32
    %dma_start3A_7 = tpu.memref_slice %arg3[%mul3A_2, %dma_start3A_6] : memref<1024x16384xf32, #tpu.memory_space<hbm>> -> memref<8x2048xf32, #tpu.memory_space<hbm>>
    %dma_start3A_8 = arith.constant 0 : i32
    %dma_start3A_9 = tpu.memref_slice %arg3[%mul3A_2, %dma_start3A_8] : memref<1024x16384xf32, #tpu.memory_space<hbm>> -> memref<8x2048xf32, #tpu.memory_space<hbm>>
    tpu.enqueue_dma source(%dma_start3A_9 : memref<8x2048xf32, #tpu.memory_space<hbm>>) target(%arg7 : memref<8x2048xf32, #tpu.memory_space<vmem>>) target_semaphore(%arg11 : memref<!tpu.dma_semaphore, #tpu.memory_space<semaphore_mem>>)
    %dma_start3A_10 = arith.constant 2048 : i32
    %dma_start3A_11 = tpu.memref_slice %arg2[%mul3A_2, %dma_start3A_10] : memref<1024x16384xf32, #tpu.memory_space<hbm>> -> memref<8x2048xf32, #tpu.memory_space<hbm>>
    %dma_start3A_12 = arith.constant 2048 : i32
    %dma_start3A_13 = tpu.memref_slice %arg2[%mul3A_2, %dma_start3A_12] : memref<1024x16384xf32, #tpu.memory_space<hbm>> -> memref<8x2048xf32, #tpu.memory_space<hbm>>
    tpu.enqueue_dma source(%dma_start3A_13 : memref<8x2048xf32, #tpu.memory_space<hbm>>) target(%arg8 : memref<8x2048xf32, #tpu.memory_space<vmem>>) target_semaphore(%arg12 : memref<!tpu.dma_semaphore, #tpu.memory_space<semaphore_mem>>)
    %dma_start3A_14 = arith.constant 2048 : i32
    %dma_start3A_15 = tpu.memref_slice %arg3[%mul3A_2, %dma_start3A_14] : memref<1024x16384xf32, #tpu.memory_space<hbm>> -> memref<8x2048xf32, #tpu.memory_space<hbm>>
    %dma_start3A_16 = arith.constant 2048 : i32
    %dma_start3A_17 = tpu.memref_slice %arg3[%mul3A_2, %dma_start3A_16] : memref<1024x16384xf32, #tpu.memory_space<hbm>> -> memref<8x2048xf32, #tpu.memory_space<hbm>>
    tpu.enqueue_dma source(%dma_start3A_17 : memref<8x2048xf32, #tpu.memory_space<hbm>>) target(%arg9 : memref<8x2048xf32, #tpu.memory_space<vmem>>) target_semaphore(%arg12 : memref<!tpu.dma_semaphore, #tpu.memory_space<semaphore_mem>>)
    %broadcast_in_dim3A = arith.constant 0.000000e+00 : f32
    %broadcast_in_dim3A_18 = vector.broadcast %broadcast_in_dim3A : f32 to vector<16xf32>
    %scan3A = arith.constant 0 : i32
    %scan3A_19 = arith.constant 4 : i32
    %scan3A_20 = arith.addi %scan3A, %scan3A_19 : i32
    %scan3A_21 = arith.constant 1 : i32
    %scan3A_22:2 = scf.for %scan3A_35 = %scan3A to %scan3A_20 step %scan3A_21 iter_args(%scan3A_36 = %broadcast_in_dim3A_18, %scan3A_37 = %broadcast_in_dim3A_18) -> (vector<16xf32>, vector<16xf32>)  : i32 {
      %mul3A_38 = arith.constant 2 : i32
      %mul3A_39 = arith.muli %mul3A_38, %scan3A_35 : i32
      %dma_wait3A = arith.constant 0 : i32
      %dma_wait3A_40 = tpu.memref_slice %arg2[%mul3A_2, %dma_wait3A] : memref<1024x16384xf32, #tpu.memory_space<hbm>> -> memref<8x2048xf32, #tpu.memory_space<hbm>>
      %dma_wait3A_41 = arith.constant 0 : i32
      %dma_wait3A_42 = tpu.memref_slice %arg2[%mul3A_2, %dma_wait3A_41] : memref<1024x16384xf32, #tpu.memory_space<hbm>> -> memref<8x2048xf32, #tpu.memory_space<hbm>>
      tpu.wait_dma2 semaphore(%arg11 : memref<!tpu.dma_semaphore, #tpu.memory_space<semaphore_mem>>) src(%dma_wait3A_42 : memref<8x2048xf32, #tpu.memory_space<hbm>>) dst(%arg6 : memref<8x2048xf32, #tpu.memory_space<vmem>>)
      %dma_wait3A_43 = arith.constant 0 : i32
      %dma_wait3A_44 = tpu.memref_slice %arg3[%mul3A_2, %dma_wait3A_43] : memref<1024x16384xf32, #tpu.memory_space<hbm>> -> memref<8x2048xf32, #tpu.memory_space<hbm>>
      %dma_wait3A_45 = arith.constant 0 : i32
      %dma_wait3A_46 = tpu.memref_slice %arg3[%mul3A_2, %dma_wait3A_45] : memref<1024x16384xf32, #tpu.memory_space<hbm>> -> memref<8x2048xf32, #tpu.memory_space<hbm>>
      tpu.wait_dma2 semaphore(%arg11 : memref<!tpu.dma_semaphore, #tpu.memory_space<semaphore_mem>>) src(%dma_wait3A_46 : memref<8x2048xf32, #tpu.memory_space<hbm>>) dst(%arg7 : memref<8x2048xf32, #tpu.memory_space<vmem>>)
      %scan3A_47 = arith.constant 0 : i32
      %scan3A_48 = arith.constant 128 : i32
      %scan3A_49 = arith.addi %scan3A_47, %scan3A_48 : i32
      %scan3A_50 = arith.constant 1 : i32
      %scan3A_51:2 = scf.for %scan3A_78 = %scan3A_47 to %scan3A_49 step %scan3A_50 iter_args(%scan3A_79 = %scan3A_36, %scan3A_80 = %scan3A_37) -> (vector<16xf32>, vector<16xf32>)  : i32 {
        %mul3A_81 = arith.constant 16 : i32
        %mul3A_82 = arith.muli %scan3A_78, %mul3A_81 : i32
        %get3A = arith.constant 0 : i32
        %get3A_83 = arith.index_cast %get3A : i32 to index
        %get3A_84 = arith.index_cast %mul3A_82 : i32 to index
        %get3A_85 = tpu.vector_load %arg6[%get3A_83, %get3A_84] {strides = array<i32>} : memref<8x2048xf32, #tpu.memory_space<vmem>>, vector<1x16xf32>,
        %get3A_86 = vector.shape_cast %get3A_85 : vector<1x16xf32> to vector<16xf32>
        %get3A_87 = arith.constant 0 : i32
        %get3A_88 = arith.index_cast %get3A_87 : i32 to index
        %get3A_89 = arith.index_cast %mul3A_82 : i32 to index
        %get3A_90 = tpu.vector_load %arg7[%get3A_88, %get3A_89] {strides = array<i32>} : memref<8x2048xf32, #tpu.memory_space<vmem>>, vector<1x16xf32>,
        %get3A_91 = vector.shape_cast %get3A_90 : vector<1x16xf32> to vector<16xf32>
        %gt3A = arith.constant 0.000000e+00 : f32
        %gt3A_92 = vector.broadcast %gt3A : f32 to vector<16xf32>
        %gt3A_93 = arith.cmpf ogt, %get3A_91, %gt3A_92 : vector<16xf32>
        %ge3A = arith.constant 0.000000e+00 : f32
        %ge3A_94 = vector.broadcast %ge3A : f32 to vector<16xf32>
        %ge3A_95 = arith.cmpf oge, %get3A_86, %ge3A_94 : vector<16xf32>
        %ne3A = arith.xori %ge3A_95, %gt3A_93 : vector<16xi1>
        %abs3A = math.absf %get3A_86 : vector<16xf32>
        %neg3A = arith.constant 0.000000e+00 : f32
        %neg3A_96 = vector.broadcast %neg3A : f32 to vector<16xf32>
        %neg3A_97 = arith.subf %neg3A_96, %abs3A : vector<16xf32>
        %exp3A = math.exp %neg3A_97 : vector<16xf32>
        %add3A_98 = arith.constant 1.000000e+00 : f32
        %add3A_99 = vector.broadcast %add3A_98 : f32 to vector<16xf32>
        %add3A_100 = arith.addf %add3A_99, %exp3A : vector<16xf32>
        %div3A = arith.constant 1.000000e+00 : f32
        %div3A_101 = vector.broadcast %div3A : f32 to vector<16xf32>
        %div3A_102 = arith.divf %div3A_101, %add3A_100 : vector<16xf32>
        %sub3A = arith.constant 1.000000e+00 : f32
        %sub3A_103 = vector.broadcast %sub3A : f32 to vector<16xf32>
        %sub3A_104 = arith.subf %sub3A_103, %div3A_102 : vector<16xf32>
        %select_n3A = arith.select %ne3A, %div3A_102, %sub3A_104 : vector<16xi1>, vector<16xf32>
        %mul3A_105 = arith.constant -0.0174140781 : f32
        %mul3A_106 = vector.broadcast %mul3A_105 : f32 to vector<16xf32>
        %mul3A_107 = arith.mulf %exp3A, %mul3A_106 : vector<16xf32>
        %add3A_108 = arith.constant 0.0826912373 : f32
        %add3A_109 = vector.broadcast %add3A_108 : f32 to vector<16xf32>
        %add3A_110 = arith.addf %add3A_109, %mul3A_107 : vector<16xf32>
        %mul3A_111 = arith.mulf %exp3A, %add3A_110 : vector<16xf32>
        %add3A_112 = arith.constant -0.190354332 : f32
        %add3A_113 = vector.broadcast %add3A_112 : f32 to vector<16xf32>
        %add3A_114 = arith.addf %add3A_113, %mul3A_111 : vector<16xf32>
        %mul3A_115 = arith.mulf %exp3A, %add3A_114 : vector<16xf32>
        %add3A_116 = arith.constant 0.315747321 : f32
        %add3A_117 = vector.broadcast %add3A_116 : f32 to vector<16xf32>
        %add3A_118 = arith.addf %add3A_117, %mul3A_115 : vector<16xf32>
        %mul3A_119 = arith.mulf %exp3A, %add3A_118 : vector<16xf32>
        %add3A_120 = arith.constant -0.497373223 : f32
        %add3A_121 = vector.broadcast %add3A_120 : f32 to vector<16xf32>
        %add3A_122 = arith.addf %add3A_121, %mul3A_119 : vector<16xf32>
        %mul3A_123 = arith.mulf %exp3A, %add3A_122 : vector<16xf32>
        %add3A_124 = arith.constant 0.99984771 : f32
        %add3A_125 = vector.broadcast %add3A_124 : f32 to vector<16xf32>
        %add3A_126 = arith.addf %add3A_125, %mul3A_123 : vector<16xf32>
        %mul3A_127 = arith.mulf %exp3A, %add3A_126 : vector<16xf32>
        %add3A_128 = arith.constant 1.47206504E-6 : f32
        %add3A_129 = vector.broadcast %add3A_128 : f32 to vector<16xf32>
        %add3A_130 = arith.addf %add3A_129, %mul3A_127 : vector<16xf32>
        %jit3A = arith.constant 0.000000e+00 : f32
        %broadcast_in_dim3A_131 = vector.broadcast %jit3A : f32 to vector<16xf32>
        %select_n3A_132 = arith.select %ne3A, %abs3A, %broadcast_in_dim3A_131 : vector<16xi1>, vector<16xf32>
        %add3A_133 = arith.addf %select_n3A_132, %add3A_130 : vector<16xf32>
        %jit3A_134 = arith.constant 2.500000e-01 : f32
        %jit3A_135 = arith.constant 7.500000e-01 : f32
        %broadcast_in_dim3A_136 = vector.broadcast %jit3A_134 : f32 to vector<16xf32>
        %broadcast_in_dim3A_137 = vector.broadcast %jit3A_135 : f32 to vector<16xf32>
        %select_n3A_138 = arith.select %gt3A_93, %broadcast_in_dim3A_136, %broadcast_in_dim3A_137 : vector<16xi1>, vector<16xf32>
        %mul3A_139 = arith.mulf %select_n3A_138, %add3A_133 : vector<16xf32>
        %mul3A_140 = arith.mulf %select_n3A, %select_n3A : vector<16xf32>
        %mul3A_141 = arith.mulf %mul3A_139, %mul3A_140 : vector<16xf32>
        %add3A_142 = arith.addf %scan3A_79, %mul3A_141 : vector<16xf32>
        %add3A_143 = arith.addf %scan3A_80, %get3A_91 : vector<16xf32>
        %get3A_144 = arith.constant 1 : i32
        %get3A_145 = arith.index_cast %get3A_144 : i32 to index
        %get3A_146 = arith.index_cast %mul3A_82 : i32 to index
        %get3A_147 = tpu.vector_load %arg6[%get3A_145, %get3A_146] {strides = array<i32>} : memref<8x2048xf32, #tpu.memory_space<vmem>>, vector<1x16xf32>,
        %get3A_148 = vector.shape_cast %get3A_147 : vector<1x16xf32> to vector<16xf32>
        %get3A_149 = arith.constant 1 : i32
        %get3A_150 = arith.index_cast %get3A_149 : i32 to index
        %get3A_151 = arith.index_cast %mul3A_82 : i32 to index
        %get3A_152 = tpu.vector_load %arg7[%get3A_150, %get3A_151] {strides = array<i32>} : memref<8x2048xf32, #tpu.memory_space<vmem>>, vector<1x16xf32>,
        %get3A_153 = vector.shape_cast %get3A_152 : vector<1x16xf32> to vector<16xf32>
        %gt3A_154 = arith.constant 0.000000e+00 : f32
        %gt3A_155 = vector.broadcast %gt3A_154 : f32 to vector<16xf32>
        %gt3A_156 = arith.cmpf ogt, %get3A_153, %gt3A_155 : vector<16xf32>
        %ge3A_157 = arith.constant 0.000000e+00 : f32
        %ge3A_158 = vector.broadcast %ge3A_157 : f32 to vector<16xf32>
        %ge3A_159 = arith.cmpf oge, %get3A_148, %ge3A_158 : vector<16xf32>
        %ne3A_160 = arith.xori %ge3A_159, %gt3A_156 : vector<16xi1>
        %abs3A_161 = math.absf %get3A_148 : vector<16xf32>
        %neg3A_162 = arith.constant 0.000000e+00 : f32
        %neg3A_163 = vector.broadcast %neg3A_162 : f32 to vector<16xf32>
        %neg3A_164 = arith.subf %neg3A_163, %abs3A_161 : vector<16xf32>
        %exp3A_165 = math.exp %neg3A_164 : vector<16xf32>
        %add3A_166 = arith.constant 1.000000e+00 : f32
        %add3A_167 = vector.broadcast %add3A_166 : f32 to vector<16xf32>
        %add3A_168 = arith.addf %add3A_167, %exp3A_165 : vector<16xf32>
        %div3A_169 = arith.constant 1.000000e+00 : f32
        %div3A_170 = vector.broadcast %div3A_169 : f32 to vector<16xf32>
        %div3A_171 = arith.divf %div3A_170, %add3A_168 : vector<16xf32>
        %sub3A_172 = arith.constant 1.000000e+00 : f32
        %sub3A_173 = vector.broadcast %sub3A_172 : f32 to vector<16xf32>
        %sub3A_174 = arith.subf %sub3A_173, %div3A_171 : vector<16xf32>
        %select_n3A_175 = arith.select %ne3A_160, %div3A_171, %sub3A_174 : vector<16xi1>, vector<16xf32>
        %mul3A_176 = arith.constant -0.0174140781 : f32
        %mul3A_177 = vector.broadcast %mul3A_176 : f32 to vector<16xf32>
        %mul3A_178 = arith.mulf %exp3A_165, %mul3A_177 : vector<16xf32>
        %add3A_179 = arith.constant 0.0826912373 : f32
        %add3A_180 = vector.broadcast %add3A_179 : f32 to vector<16xf32>
        %add3A_181 = arith.addf %add3A_180, %mul3A_178 : vector<16xf32>
        %mul3A_182 = arith.mulf %exp3A_165, %add3A_181 : vector<16xf32>
        %add3A_183 = arith.constant -0.190354332 : f32
        %add3A_184 = vector.broadcast %add3A_183 : f32 to vector<16xf32>
        %add3A_185 = arith.addf %add3A_184, %mul3A_182 : vector<16xf32>
        %mul3A_186 = arith.mulf %exp3A_165, %add3A_185 : vector<16xf32>
        %add3A_187 = arith.constant 0.315747321 : f32
        %add3A_188 = vector.broadcast %add3A_187 : f32 to vector<16xf32>
        %add3A_189 = arith.addf %add3A_188, %mul3A_186 : vector<16xf32>
        %mul3A_190 = arith.mulf %exp3A_165, %add3A_189 : vector<16xf32>
        %add3A_191 = arith.constant -0.497373223 : f32
        %add3A_192 = vector.broadcast %add3A_191 : f32 to vector<16xf32>
        %add3A_193 = arith.addf %add3A_192, %mul3A_190 : vector<16xf32>
        %mul3A_194 = arith.mulf %exp3A_165, %add3A_193 : vector<16xf32>
        %add3A_195 = arith.constant 0.99984771 : f32
        %add3A_196 = vector.broadcast %add3A_195 : f32 to vector<16xf32>
        %add3A_197 = arith.addf %add3A_196, %mul3A_194 : vector<16xf32>
        %mul3A_198 = arith.mulf %exp3A_165, %add3A_197 : vector<16xf32>
        %add3A_199 = arith.constant 1.47206504E-6 : f32
        %add3A_200 = vector.broadcast %add3A_199 : f32 to vector<16xf32>
        %add3A_201 = arith.addf %add3A_200, %mul3A_198 : vector<16xf32>
        %jit3A_202 = arith.constant 0.000000e+00 : f32
        %broadcast_in_dim3A_203 = vector.broadcast %jit3A_202 : f32 to vector<16xf32>
        %select_n3A_204 = arith.select %ne3A_160, %abs3A_161, %broadcast_in_dim3A_203 : vector<16xi1>, vector<16xf32>
        %add3A_205 = arith.addf %select_n3A_204, %add3A_201 : vector<16xf32>
        %jit3A_206 = arith.constant 2.500000e-01 : f32
        %jit3A_207 = arith.constant 7.500000e-01 : f32
        %broadcast_in_dim3A_208 = vector.broadcast %jit3A_206 : f32 to vector<16xf32>
        %broadcast_in_dim3A_209 = vector.broadcast %jit3A_207 : f32 to vector<16xf32>
        %select_n3A_210 = arith.select %gt3A_156, %broadcast_in_dim3A_208, %broadcast_in_dim3A_209 : vector<16xi1>, vector<16xf32>
        %mul3A_211 = arith.mulf %select_n3A_210, %add3A_205 : vector<16xf32>
        %mul3A_212 = arith.mulf %select_n3A_175, %select_n3A_175 : vector<16xf32>
        %mul3A_213 = arith.mulf %mul3A_211, %mul3A_212 : vector<16xf32>
        %add3A_214 = arith.addf %add3A_142, %mul3A_213 : vector<16xf32>
        %add3A_215 = arith.addf %add3A_143, %get3A_153 : vector<16xf32>
        %get3A_216 = arith.constant 2 : i32
        %get3A_217 = arith.index_cast %get3A_216 : i32 to index
        %get3A_218 = arith.index_cast %mul3A_82 : i32 to index
        %get3A_219 = tpu.vector_load %arg6[%get3A_217, %get3A_218] {strides = array<i32>} : memref<8x2048xf32, #tpu.memory_space<vmem>>, vector<1x16xf32>,
        %get3A_220 = vector.shape_cast %get3A_219 : vector<1x16xf32> to vector<16xf32>
        %get3A_221 = arith.constant 2 : i32
        %get3A_222 = arith.index_cast %get3A_221 : i32 to index
        %get3A_223 = arith.index_cast %mul3A_82 : i32 to index
        %get3A_224 = tpu.vector_load %arg7[%get3A_222, %get3A_223] {strides = array<i32>} : memref<8x2048xf32, #tpu.memory_space<vmem>>, vector<1x16xf32>,
        %get3A_225 = vector.shape_cast %get3A_224 : vector<1x16xf32> to vector<16xf32>
        %gt3A_226 = arith.constant 0.000000e+00 : f32
        %gt3A_227 = vector.broadcast %gt3A_226 : f32 to vector<16xf32>
        %gt3A_228 = arith.cmpf ogt, %get3A_225, %gt3A_227 : vector<16xf32>
        %ge3A_229 = arith.constant 0.000000e+00 : f32
        %ge3A_230 = vector.broadcast %ge3A_229 : f32 to vector<16xf32>
        %ge3A_231 = arith.cmpf oge, %get3A_220, %ge3A_230 : vector<16xf32>
        %ne3A_232 = arith.xori %ge3A_231, %gt3A_228 : vector<16xi1>
        %abs3A_233 = math.absf %get3A_220 : vector<16xf32>
        %neg3A_234 = arith.constant 0.000000e+00 : f32
        %neg3A_235 = vector.broadcast %neg3A_234 : f32 to vector<16xf32>
        %neg3A_236 = arith.subf %neg3A_235, %abs3A_233 : vector<16xf32>
        %exp3A_237 = math.exp %neg3A_236 : vector<16xf32>
        %add3A_238 = arith.constant 1.000000e+00 : f32
        %add3A_239 = vector.broadcast %add3A_238 : f32 to vector<16xf32>
        %add3A_240 = arith.addf %add3A_239, %exp3A_237 : vector<16xf32>
        %div3A_241 = arith.constant 1.000000e+00 : f32
        %div3A_242 = vector.broadcast %div3A_241 : f32 to vector<16xf32>
        %div3A_243 = arith.divf %div3A_242, %add3A_240 : vector<16xf32>
        %sub3A_244 = arith.constant 1.000000e+00 : f32
        %sub3A_245 = vector.broadcast %sub3A_244 : f32 to vector<16xf32>
        %sub3A_246 = arith.subf %sub3A_245, %div3A_243 : vector<16xf32>
        %select_n3A_247 = arith.select %ne3A_232, %div3A_243, %sub3A_246 : vector<16xi1>, vector<16xf32>
        %mul3A_248 = arith.constant -0.0174140781 : f32
        %mul3A_249 = vector.broadcast %mul3A_248 : f32 to vector<16xf32>
        %mul3A_250 = arith.mulf %exp3A_237, %mul3A_249 : vector<16xf32>
        %add3A_251 = arith.constant 0.0826912373 : f32
        %add3A_252 = vector.broadcast %add3A_251 : f32 to vector<16xf32>
        %add3A_253 = arith.addf %add3A_252, %mul3A_250 : vector<16xf32>
        %mul3A_254 = arith.mulf %exp3A_237, %add3A_253 : vector<16xf32>
        %add3A_255 = arith.constant -0.190354332 : f32
        %add3A_256 = vector.broadcast %add3A_255 : f32 to vector<16xf32>
        %add3A_257 = arith.addf %add3A_256, %mul3A_254 : vector<16xf32>
        %mul3A_258 = arith.mulf %exp3A_237, %add3A_257 : vector<16xf32>
        %add3A_259 = arith.constant 0.315747321 : f32
        %add3A_260 = vector.broadcast %add3A_259 : f32 to vector<16xf32>
        %add3A_261 = arith.addf %add3A_260, %mul3A_258 : vector<16xf32>
        %mul3A_262 = arith.mulf %exp3A_237, %add3A_261 : vector<16xf32>
        %add3A_263 = arith.constant -0.497373223 : f32
        %add3A_264 = vector.broadcast %add3A_263 : f32 to vector<16xf32>
        %add3A_265 = arith.addf %add3A_264, %mul3A_262 : vector<16xf32>
        %mul3A_266 = arith.mulf %exp3A_237, %add3A_265 : vector<16xf32>
        %add3A_267 = arith.constant 0.99984771 : f32
        %add3A_268 = vector.broadcast %add3A_267 : f32 to vector<16xf32>
        %add3A_269 = arith.addf %add3A_268, %mul3A_266 : vector<16xf32>
        %mul3A_270 = arith.mulf %exp3A_237, %add3A_269 : vector<16xf32>
        %add3A_271 = arith.constant 1.47206504E-6 : f32
        %add3A_272 = vector.broadcast %add3A_271 : f32 to vector<16xf32>
        %add3A_273 = arith.addf %add3A_272, %mul3A_270 : vector<16xf32>
        %jit3A_274 = arith.constant 0.000000e+00 : f32
        %broadcast_in_dim3A_275 = vector.broadcast %jit3A_274 : f32 to vector<16xf32>
        %select_n3A_276 = arith.select %ne3A_232, %abs3A_233, %broadcast_in_dim3A_275 : vector<16xi1>, vector<16xf32>
        %add3A_277 = arith.addf %select_n3A_276, %add3A_273 : vector<16xf32>
        %jit3A_278 = arith.constant 2.500000e-01 : f32
        %jit3A_279 = arith.constant 7.500000e-01 : f32
        %broadcast_in_dim3A_280 = vector.broadcast %jit3A_278 : f32 to vector<16xf32>
        %broadcast_in_dim3A_281 = vector.broadcast %jit3A_279 : f32 to vector<16xf32>
        %select_n3A_282 = arith.select %gt3A_228, %broadcast_in_dim3A_280, %broadcast_in_dim3A_281 : vector<16xi1>, vector<16xf32>
        %mul3A_283 = arith.mulf %select_n3A_282, %add3A_277 : vector<16xf32>
        %mul3A_284 = arith.mulf %select_n3A_247, %select_n3A_247 : vector<16xf32>
        %mul3A_285 = arith.mulf %mul3A_283, %mul3A_284 : vector<16xf32>
        %add3A_286 = arith.addf %add3A_214, %mul3A_285 : vector<16xf32>
        %add3A_287 = arith.addf %add3A_215, %get3A_225 : vector<16xf32>
        %get3A_288 = arith.constant 3 : i32
        %get3A_289 = arith.index_cast %get3A_288 : i32 to index
        %get3A_290 = arith.index_cast %mul3A_82 : i32 to index
        %get3A_291 = tpu.vector_load %arg6[%get3A_289, %get3A_290] {strides = array<i32>} : memref<8x2048xf32, #tpu.memory_space<vmem>>, vector<1x16xf32>,
        %get3A_292 = vector.shape_cast %get3A_291 : vector<1x16xf32> to vector<16xf32>
        %get3A_293 = arith.constant 3 : i32
        %get3A_294 = arith.index_cast %get3A_293 : i32 to index
        %get3A_295 = arith.index_cast %mul3A_82 : i32 to index
        %get3A_296 = tpu.vector_load %arg7[%get3A_294, %get3A_295] {strides = array<i32>} : memref<8x2048xf32, #tpu.memory_space<vmem>>, vector<1x16xf32>,
        %get3A_297 = vector.shape_cast %get3A_296 : vector<1x16xf32> to vector<16xf32>
        %gt3A_298 = arith.constant 0.000000e+00 : f32
        %gt3A_299 = vector.broadcast %gt3A_298 : f32 to vector<16xf32>
        %gt3A_300 = arith.cmpf ogt, %get3A_297, %gt3A_299 : vector<16xf32>
        %ge3A_301 = arith.constant 0.000000e+00 : f32
        %ge3A_302 = vector.broadcast %ge3A_301 : f32 to vector<16xf32>
        %ge3A_303 = arith.cmpf oge, %get3A_292, %ge3A_302 : vector<16xf32>
        %ne3A_304 = arith.xori %ge3A_303, %gt3A_300 : vector<16xi1>
        %abs3A_305 = math.absf %get3A_292 : vector<16xf32>
        %neg3A_306 = arith.constant 0.000000e+00 : f32
        %neg3A_307 = vector.broadcast %neg3A_306 : f32 to vector<16xf32>
        %neg3A_308 = arith.subf %neg3A_307, %abs3A_305 : vector<16xf32>
        %exp3A_309 = math.exp %neg3A_308 : vector<16xf32>
        %add3A_310 = arith.constant 1.000000e+00 : f32
        %add3A_311 = vector.broadcast %add3A_310 : f32 to vector<16xf32>
        %add3A_312 = arith.addf %add3A_311, %exp3A_309 : vector<16xf32>
        %div3A_313 = arith.constant 1.000000e+00 : f32
        %div3A_314 = vector.broadcast %div3A_313 : f32 to vector<16xf32>
        %div3A_315 = arith.divf %div3A_314, %add3A_312 : vector<16xf32>
        %sub3A_316 = arith.constant 1.000000e+00 : f32
        %sub3A_317 = vector.broadcast %sub3A_316 : f32 to vector<16xf32>
        %sub3A_318 = arith.subf %sub3A_317, %div3A_315 : vector<16xf32>
        %select_n3A_319 = arith.select %ne3A_304, %div3A_315, %sub3A_318 : vector<16xi1>, vector<16xf32>
        %mul3A_320 = arith.constant -0.0174140781 : f32
        %mul3A_321 = vector.broadcast %mul3A_320 : f32 to vector<16xf32>
        %mul3A_322 = arith.mulf %exp3A_309, %mul3A_321 : vector<16xf32>
        %add3A_323 = arith.constant 0.0826912373 : f32
        %add3A_324 = vector.broadcast %add3A_323 : f32 to vector<16xf32>
        %add3A_325 = arith.addf %add3A_324, %mul3A_322 : vector<16xf32>
        %mul3A_326 = arith.mulf %exp3A_309, %add3A_325 : vector<16xf32>
        %add3A_327 = arith.constant -0.190354332 : f32
        %add3A_328 = vector.broadcast %add3A_327 : f32 to vector<16xf32>
        %add3A_329 = arith.addf %add3A_328, %mul3A_326 : vector<16xf32>
        %mul3A_330 = arith.mulf %exp3A_309, %add3A_329 : vector<16xf32>
        %add3A_331 = arith.constant 0.315747321 : f32
        %add3A_332 = vector.broadcast %add3A_331 : f32 to vector<16xf32>
        %add3A_333 = arith.addf %add3A_332, %mul3A_330 : vector<16xf32>
        %mul3A_334 = arith.mulf %exp3A_309, %add3A_333 : vector<16xf32>
        %add3A_335 = arith.constant -0.497373223 : f32
        %add3A_336 = vector.broadcast %add3A_335 : f32 to vector<16xf32>
        %add3A_337 = arith.addf %add3A_336, %mul3A_334 : vector<16xf32>
        %mul3A_338 = arith.mulf %exp3A_309, %add3A_337 : vector<16xf32>
        %add3A_339 = arith.constant 0.99984771 : f32
        %add3A_340 = vector.broadcast %add3A_339 : f32 to vector<16xf32>
        %add3A_341 = arith.addf %add3A_340, %mul3A_338 : vector<16xf32>
        %mul3A_342 = arith.mulf %exp3A_309, %add3A_341 : vector<16xf32>
        %add3A_343 = arith.constant 1.47206504E-6 : f32
        %add3A_344 = vector.broadcast %add3A_343 : f32 to vector<16xf32>
        %add3A_345 = arith.addf %add3A_344, %mul3A_342 : vector<16xf32>
        %jit3A_346 = arith.constant 0.000000e+00 : f32
        %broadcast_in_dim3A_347 = vector.broadcast %jit3A_346 : f32 to vector<16xf32>
        %select_n3A_348 = arith.select %ne3A_304, %abs3A_305, %broadcast_in_dim3A_347 : vector<16xi1>, vector<16xf32>
        %add3A_349 = arith.addf %select_n3A_348, %add3A_345 : vector<16xf32>
        %jit3A_350 = arith.constant 2.500000e-01 : f32
        %jit3A_351 = arith.constant 7.500000e-01 : f32
        %broadcast_in_dim3A_352 = vector.broadcast %jit3A_350 : f32 to vector<16xf32>
        %broadcast_in_dim3A_353 = vector.broadcast %jit3A_351 : f32 to vector<16xf32>
        %select_n3A_354 = arith.select %gt3A_300, %broadcast_in_dim3A_352, %broadcast_in_dim3A_353 : vector<16xi1>, vector<16xf32>
        %mul3A_355 = arith.mulf %select_n3A_354, %add3A_349 : vector<16xf32>
        %mul3A_356 = arith.mulf %select_n3A_319, %select_n3A_319 : vector<16xf32>
        %mul3A_357 = arith.mulf %mul3A_355, %mul3A_356 : vector<16xf32>
        %add3A_358 = arith.addf %add3A_286, %mul3A_357 : vector<16xf32>
        %add3A_359 = arith.addf %add3A_287, %get3A_297 : vector<16xf32>
        %get3A_360 = arith.constant 4 : i32
        %get3A_361 = arith.index_cast %get3A_360 : i32 to index
        %get3A_362 = arith.index_cast %mul3A_82 : i32 to index
        %get3A_363 = tpu.vector_load %arg6[%get3A_361, %get3A_362] {strides = array<i32>} : memref<8x2048xf32, #tpu.memory_space<vmem>>, vector<1x16xf32>,
        %get3A_364 = vector.shape_cast %get3A_363 : vector<1x16xf32> to vector<16xf32>
        %get3A_365 = arith.constant 4 : i32
        %get3A_366 = arith.index_cast %get3A_365 : i32 to index
        %get3A_367 = arith.index_cast %mul3A_82 : i32 to index
        %get3A_368 = tpu.vector_load %arg7[%get3A_366, %get3A_367] {strides = array<i32>} : memref<8x2048xf32, #tpu.memory_space<vmem>>, vector<1x16xf32>,
        %get3A_369 = vector.shape_cast %get3A_368 : vector<1x16xf32> to vector<16xf32>
        %gt3A_370 = arith.constant 0.000000e+00 : f32
        %gt3A_371 = vector.broadcast %gt3A_370 : f32 to vector<16xf32>
        %gt3A_372 = arith.cmpf ogt, %get3A_369, %gt3A_371 : vector<16xf32>
        %ge3A_373 = arith.constant 0.000000e+00 : f32
        %ge3A_374 = vector.broadcast %ge3A_373 : f32 to vector<16xf32>
        %ge3A_375 = arith.cmpf oge, %get3A_364, %ge3A_374 : vector<16xf32>
        %ne3A_376 = arith.xori %ge3A_375, %gt3A_372 : vector<16xi1>
        %abs3A_377 = math.absf %get3A_364 : vector<16xf32>
        %neg3A_378 = arith.constant 0.000000e+00 : f32
        %neg3A_379 = vector.broadcast %neg3A_378 : f32 to vector<16xf32>
        %neg3A_380 = arith.subf %neg3A_379, %abs3A_377 : vector<16xf32>
        %exp3A_381 = math.exp %neg3A_380 : vector<16xf32>
        %add3A_382 = arith.constant 1.000000e+00 : f32
        %add3A_383 = vector.broadcast %add3A_382 : f32 to vector<16xf32>
        %add3A_384 = arith.addf %add3A_383, %exp3A_381 : vector<16xf32>
        %div3A_385 = arith.constant 1.000000e+00 : f32
        %div3A_386 = vector.broadcast %div3A_385 : f32 to vector<16xf32>
        %div3A_387 = arith.divf %div3A_386, %add3A_384 : vector<16xf32>
        %sub3A_388 = arith.constant 1.000000e+00 : f32
        %sub3A_389 = vector.broadcast %sub3A_388 : f32 to vector<16xf32>
        %sub3A_390 = arith.subf %sub3A_389, %div3A_387 : vector<16xf32>
        %select_n3A_391 = arith.select %ne3A_376, %div3A_387, %sub3A_390 : vector<16xi1>, vector<16xf32>
        %mul3A_392 = arith.constant -0.0174140781 : f32
        %mul3A_393 = vector.broadcast %mul3A_392 : f32 to vector<16xf32>
        %mul3A_394 = arith.mulf %exp3A_381, %mul3A_393 : vector<16xf32>
        %add3A_395 = arith.constant 0.0826912373 : f32
        %add3A_396 = vector.broadcast %add3A_395 : f32 to vector<16xf32>
        %add3A_397 = arith.addf %add3A_396, %mul3A_394 : vector<16xf32>
        %mul3A_398 = arith.mulf %exp3A_381, %add3A_397 : vector<16xf32>
        %add3A_399 = arith.constant -0.190354332 : f32
        %add3A_400 = vector.broadcast %add3A_399 : f32 to vector<16xf32>
        %add3A_401 = arith.addf %add3A_400, %mul3A_398 : vector<16xf32>
        %mul3A_402 = arith.mulf %exp3A_381, %add3A_401 : vector<16xf32>
        %add3A_403 = arith.constant 0.315747321 : f32
        %add3A_404 = vector.broadcast %add3A_403 : f32 to vector<16xf32>
        %add3A_405 = arith.addf %add3A_404, %mul3A_402 : vector<16xf32>
        %mul3A_406 = arith.mulf %exp3A_381, %add3A_405 : vector<16xf32>
        %add3A_407 = arith.constant -0.497373223 : f32
        %add3A_408 = vector.broadcast %add3A_407 : f32 to vector<16xf32>
        %add3A_409 = arith.addf %add3A_408, %mul3A_406 : vector<16xf32>
        %mul3A_410 = arith.mulf %exp3A_381, %add3A_409 : vector<16xf32>
        %add3A_411 = arith.constant 0.99984771 : f32
        %add3A_412 = vector.broadcast %add3A_411 : f32 to vector<16xf32>
        %add3A_413 = arith.addf %add3A_412, %mul3A_410 : vector<16xf32>
        %mul3A_414 = arith.mulf %exp3A_381, %add3A_413 : vector<16xf32>
        %add3A_415 = arith.constant 1.47206504E-6 : f32
        %add3A_416 = vector.broadcast %add3A_415 : f32 to vector<16xf32>
        %add3A_417 = arith.addf %add3A_416, %mul3A_414 : vector<16xf32>
        %jit3A_418 = arith.constant 0.000000e+00 : f32
        %broadcast_in_dim3A_419 = vector.broadcast %jit3A_418 : f32 to vector<16xf32>
        %select_n3A_420 = arith.select %ne3A_376, %abs3A_377, %broadcast_in_dim3A_419 : vector<16xi1>, vector<16xf32>
        %add3A_421 = arith.addf %select_n3A_420, %add3A_417 : vector<16xf32>
        %jit3A_422 = arith.constant 2.500000e-01 : f32
        %jit3A_423 = arith.constant 7.500000e-01 : f32
        %broadcast_in_dim3A_424 = vector.broadcast %jit3A_422 : f32 to vector<16xf32>
        %broadcast_in_dim3A_425 = vector.broadcast %jit3A_423 : f32 to vector<16xf32>
        %select_n3A_426 = arith.select %gt3A_372, %broadcast_in_dim3A_424, %broadcast_in_dim3A_425 : vector<16xi1>, vector<16xf32>
        %mul3A_427 = arith.mulf %select_n3A_426, %add3A_421 : vector<16xf32>
        %mul3A_428 = arith.mulf %select_n3A_391, %select_n3A_391 : vector<16xf32>
        %mul3A_429 = arith.mulf %mul3A_427, %mul3A_428 : vector<16xf32>
        %add3A_430 = arith.addf %add3A_358, %mul3A_429 : vector<16xf32>
        %add3A_431 = arith.addf %add3A_359, %get3A_369 : vector<16xf32>
        %get3A_432 = arith.constant 5 : i32
        %get3A_433 = arith.index_cast %get3A_432 : i32 to index
        %get3A_434 = arith.index_cast %mul3A_82 : i32 to index
        %get3A_435 = tpu.vector_load %arg6[%get3A_433, %get3A_434] {strides = array<i32>} : memref<8x2048xf32, #tpu.memory_space<vmem>>, vector<1x16xf32>,
        %get3A_436 = vector.shape_cast %get3A_435 : vector<1x16xf32> to vector<16xf32>
        %get3A_437 = arith.constant 5 : i32
        %get3A_438 = arith.index_cast %get3A_437 : i32 to index
        %get3A_439 = arith.index_cast %mul3A_82 : i32 to index
        %get3A_440 = tpu.vector_load %arg7[%get3A_438, %get3A_439] {strides = array<i32>} : memref<8x2048xf32, #tpu.memory_space<vmem>>, vector<1x16xf32>,
        %get3A_441 = vector.shape_cast %get3A_440 : vector<1x16xf32> to vector<16xf32>
        %gt3A_442 = arith.constant 0.000000e+00 : f32
        %gt3A_443 = vector.broadcast %gt3A_442 : f32 to vector<16xf32>
        %gt3A_444 = arith.cmpf ogt, %get3A_441, %gt3A_443 : vector<16xf32>
        %ge3A_445 = arith.constant 0.000000e+00 : f32
        %ge3A_446 = vector.broadcast %ge3A_445 : f32 to vector<16xf32>
        %ge3A_447 = arith.cmpf oge, %get3A_436, %ge3A_446 : vector<16xf32>
        %ne3A_448 = arith.xori %ge3A_447, %gt3A_444 : vector<16xi1>
        %abs3A_449 = math.absf %get3A_436 : vector<16xf32>
        %neg3A_450 = arith.constant 0.000000e+00 : f32
        %neg3A_451 = vector.broadcast %neg3A_450 : f32 to vector<16xf32>
        %neg3A_452 = arith.subf %neg3A_451, %abs3A_449 : vector<16xf32>
        %exp3A_453 = math.exp %neg3A_452 : vector<16xf32>
        %add3A_454 = arith.constant 1.000000e+00 : f32
        %add3A_455 = vector.broadcast %add3A_454 : f32 to vector<16xf32>
        %add3A_456 = arith.addf %add3A_455, %exp3A_453 : vector<16xf32>
        %div3A_457 = arith.constant 1.000000e+00 : f32
        %div3A_458 = vector.broadcast %div3A_457 : f32 to vector<16xf32>
        %div3A_459 = arith.divf %div3A_458, %add3A_456 : vector<16xf32>
        %sub3A_460 = arith.constant 1.000000e+00 : f32
        %sub3A_461 = vector.broadcast %sub3A_460 : f32 to vector<16xf32>
        %sub3A_462 = arith.subf %sub3A_461, %div3A_459 : vector<16xf32>
        %select_n3A_463 = arith.select %ne3A_448, %div3A_459, %sub3A_462 : vector<16xi1>, vector<16xf32>
        %mul3A_464 = arith.constant -0.0174140781 : f32
        %mul3A_465 = vector.broadcast %mul3A_464 : f32 to vector<16xf32>
        %mul3A_466 = arith.mulf %exp3A_453, %mul3A_465 : vector<16xf32>
        %add3A_467 = arith.constant 0.0826912373 : f32
        %add3A_468 = vector.broadcast %add3A_467 : f32 to vector<16xf32>
        %add3A_469 = arith.addf %add3A_468, %mul3A_466 : vector<16xf32>
        %mul3A_470 = arith.mulf %exp3A_453, %add3A_469 : vector<16xf32>
        %add3A_471 = arith.constant -0.190354332 : f32
        %add3A_472 = vector.broadcast %add3A_471 : f32 to vector<16xf32>
        %add3A_473 = arith.addf %add3A_472, %mul3A_470 : vector<16xf32>
        %mul3A_474 = arith.mulf %exp3A_453, %add3A_473 : vector<16xf32>
        %add3A_475 = arith.constant 0.315747321 : f32
        %add3A_476 = vector.broadcast %add3A_475 : f32 to vector<16xf32>
        %add3A_477 = arith.addf %add3A_476, %mul3A_474 : vector<16xf32>
        %mul3A_478 = arith.mulf %exp3A_453, %add3A_477 : vector<16xf32>
        %add3A_479 = arith.constant -0.497373223 : f32
        %add3A_480 = vector.broadcast %add3A_479 : f32 to vector<16xf32>
        %add3A_481 = arith.addf %add3A_480, %mul3A_478 : vector<16xf32>
        %mul3A_482 = arith.mulf %exp3A_453, %add3A_481 : vector<16xf32>
        %add3A_483 = arith.constant 0.99984771 : f32
        %add3A_484 = vector.broadcast %add3A_483 : f32 to vector<16xf32>
        %add3A_485 = arith.addf %add3A_484, %mul3A_482 : vector<16xf32>
        %mul3A_486 = arith.mulf %exp3A_453, %add3A_485 : vector<16xf32>
        %add3A_487 = arith.constant 1.47206504E-6 : f32
        %add3A_488 = vector.broadcast %add3A_487 : f32 to vector<16xf32>
        %add3A_489 = arith.addf %add3A_488, %mul3A_486 : vector<16xf32>
        %jit3A_490 = arith.constant 0.000000e+00 : f32
        %broadcast_in_dim3A_491 = vector.broadcast %jit3A_490 : f32 to vector<16xf32>
        %select_n3A_492 = arith.select %ne3A_448, %abs3A_449, %broadcast_in_dim3A_491 : vector<16xi1>, vector<16xf32>
        %add3A_493 = arith.addf %select_n3A_492, %add3A_489 : vector<16xf32>
        %jit3A_494 = arith.constant 2.500000e-01 : f32
        %jit3A_495 = arith.constant 7.500000e-01 : f32
        %broadcast_in_dim3A_496 = vector.broadcast %jit3A_494 : f32 to vector<16xf32>
        %broadcast_in_dim3A_497 = vector.broadcast %jit3A_495 : f32 to vector<16xf32>
        %select_n3A_498 = arith.select %gt3A_444, %broadcast_in_dim3A_496, %broadcast_in_dim3A_497 : vector<16xi1>, vector<16xf32>
        %mul3A_499 = arith.mulf %select_n3A_498, %add3A_493 : vector<16xf32>
        %mul3A_500 = arith.mulf %select_n3A_463, %select_n3A_463 : vector<16xf32>
        %mul3A_501 = arith.mulf %mul3A_499, %mul3A_500 : vector<16xf32>
        %add3A_502 = arith.addf %add3A_430, %mul3A_501 : vector<16xf32>
        %add3A_503 = arith.addf %add3A_431, %get3A_441 : vector<16xf32>
        %get3A_504 = arith.constant 6 : i32
        %get3A_505 = arith.index_cast %get3A_504 : i32 to index
        %get3A_506 = arith.index_cast %mul3A_82 : i32 to index
        %get3A_507 = tpu.vector_load %arg6[%get3A_505, %get3A_506] {strides = array<i32>} : memref<8x2048xf32, #tpu.memory_space<vmem>>, vector<1x16xf32>,
        %get3A_508 = vector.shape_cast %get3A_507 : vector<1x16xf32> to vector<16xf32>
        %get3A_509 = arith.constant 6 : i32
        %get3A_510 = arith.index_cast %get3A_509 : i32 to index
        %get3A_511 = arith.index_cast %mul3A_82 : i32 to index
        %get3A_512 = tpu.vector_load %arg7[%get3A_510, %get3A_511] {strides = array<i32>} : memref<8x2048xf32, #tpu.memory_space<vmem>>, vector<1x16xf32>,
        %get3A_513 = vector.shape_cast %get3A_512 : vector<1x16xf32> to vector<16xf32>
        %gt3A_514 = arith.constant 0.000000e+00 : f32
        %gt3A_515 = vector.broadcast %gt3A_514 : f32 to vector<16xf32>
        %gt3A_516 = arith.cmpf ogt, %get3A_513, %gt3A_515 : vector<16xf32>
        %ge3A_517 = arith.constant 0.000000e+00 : f32
        %ge3A_518 = vector.broadcast %ge3A_517 : f32 to vector<16xf32>
        %ge3A_519 = arith.cmpf oge, %get3A_508, %ge3A_518 : vector<16xf32>
        %ne3A_520 = arith.xori %ge3A_519, %gt3A_516 : vector<16xi1>
        %abs3A_521 = math.absf %get3A_508 : vector<16xf32>
        %neg3A_522 = arith.constant 0.000000e+00 : f32
        %neg3A_523 = vector.broadcast %neg3A_522 : f32 to vector<16xf32>
        %neg3A_524 = arith.subf %neg3A_523, %abs3A_521 : vector<16xf32>
        %exp3A_525 = math.exp %neg3A_524 : vector<16xf32>
        %add3A_526 = arith.constant 1.000000e+00 : f32
        %add3A_527 = vector.broadcast %add3A_526 : f32 to vector<16xf32>
        %add3A_528 = arith.addf %add3A_527, %exp3A_525 : vector<16xf32>
        %div3A_529 = arith.constant 1.000000e+00 : f32
        %div3A_530 = vector.broadcast %div3A_529 : f32 to vector<16xf32>
        %div3A_531 = arith.divf %div3A_530, %add3A_528 : vector<16xf32>
        %sub3A_532 = arith.constant 1.000000e+00 : f32
        %sub3A_533 = vector.broadcast %sub3A_532 : f32 to vector<16xf32>
        %sub3A_534 = arith.subf %sub3A_533, %div3A_531 : vector<16xf32>
        %select_n3A_535 = arith.select %ne3A_520, %div3A_531, %sub3A_534 : vector<16xi1>, vector<16xf32>
        %mul3A_536 = arith.constant -0.0174140781 : f32
        %mul3A_537 = vector.broadcast %mul3A_536 : f32 to vector<16xf32>
        %mul3A_538 = arith.mulf %exp3A_525, %mul3A_537 : vector<16xf32>
        %add3A_539 = arith.constant 0.0826912373 : f32
        %add3A_540 = vector.broadcast %add3A_539 : f32 to vector<16xf32>
        %add3A_541 = arith.addf %add3A_540, %mul3A_538 : vector<16xf32>
        %mul3A_542 = arith.mulf %exp3A_525, %add3A_541 : vector<16xf32>
        %add3A_543 = arith.constant -0.190354332 : f32
        %add3A_544 = vector.broadcast %add3A_543 : f32 to vector<16xf32>
        %add3A_545 = arith.addf %add3A_544, %mul3A_542 : vector<16xf32>
        %mul3A_546 = arith.mulf %exp3A_525, %add3A_545 : vector<16xf32>
        %add3A_547 = arith.constant 0.315747321 : f32
        %add3A_548 = vector.broadcast %add3A_547 : f32 to vector<16xf32>
        %add3A_549 = arith.addf %add3A_548, %mul3A_546 : vector<16xf32>
        %mul3A_550 = arith.mulf %exp3A_525, %add3A_549 : vector<16xf32>
        %add3A_551 = arith.constant -0.497373223 : f32
        %add3A_552 = vector.broadcast %add3A_551 : f32 to vector<16xf32>
        %add3A_553 = arith.addf %add3A_552, %mul3A_550 : vector<16xf32>
        %mul3A_554 = arith.mulf %exp3A_525, %add3A_553 : vector<16xf32>
        %add3A_555 = arith.constant 0.99984771 : f32
        %add3A_556 = vector.broadcast %add3A_555 : f32 to vector<16xf32>
        %add3A_557 = arith.addf %add3A_556, %mul3A_554 : vector<16xf32>
        %mul3A_558 = arith.mulf %exp3A_525, %add3A_557 : vector<16xf32>
        %add3A_559 = arith.constant 1.47206504E-6 : f32
        %add3A_560 = vector.broadcast %add3A_559 : f32 to vector<16xf32>
        %add3A_561 = arith.addf %add3A_560, %mul3A_558 : vector<16xf32>
        %jit3A_562 = arith.constant 0.000000e+00 : f32
        %broadcast_in_dim3A_563 = vector.broadcast %jit3A_562 : f32 to vector<16xf32>
        %select_n3A_564 = arith.select %ne3A_520, %abs3A_521, %broadcast_in_dim3A_563 : vector<16xi1>, vector<16xf32>
        %add3A_565 = arith.addf %select_n3A_564, %add3A_561 : vector<16xf32>
        %jit3A_566 = arith.constant 2.500000e-01 : f32
        %jit3A_567 = arith.constant 7.500000e-01 : f32
        %broadcast_in_dim3A_568 = vector.broadcast %jit3A_566 : f32 to vector<16xf32>
        %broadcast_in_dim3A_569 = vector.broadcast %jit3A_567 : f32 to vector<16xf32>
        %select_n3A_570 = arith.select %gt3A_516, %broadcast_in_dim3A_568, %broadcast_in_dim3A_569 : vector<16xi1>, vector<16xf32>
        %mul3A_571 = arith.mulf %select_n3A_570, %add3A_565 : vector<16xf32>
        %mul3A_572 = arith.mulf %select_n3A_535, %select_n3A_535 : vector<16xf32>
        %mul3A_573 = arith.mulf %mul3A_571, %mul3A_572 : vector<16xf32>
        %add3A_574 = arith.addf %add3A_502, %mul3A_573 : vector<16xf32>
        %add3A_575 = arith.addf %add3A_503, %get3A_513 : vector<16xf32>
        %get3A_576 = arith.constant 7 : i32
        %get3A_577 = arith.index_cast %get3A_576 : i32 to index
        %get3A_578 = arith.index_cast %mul3A_82 : i32 to index
        %get3A_579 = tpu.vector_load %arg6[%get3A_577, %get3A_578] {strides = array<i32>} : memref<8x2048xf32, #tpu.memory_space<vmem>>, vector<1x16xf32>,
        %get3A_580 = vector.shape_cast %get3A_579 : vector<1x16xf32> to vector<16xf32>
        %get3A_581 = arith.constant 7 : i32
        %get3A_582 = arith.index_cast %get3A_581 : i32 to index
        %get3A_583 = arith.index_cast %mul3A_82 : i32 to index
        %get3A_584 = tpu.vector_load %arg7[%get3A_582, %get3A_583] {strides = array<i32>} : memref<8x2048xf32, #tpu.memory_space<vmem>>, vector<1x16xf32>,
        %get3A_585 = vector.shape_cast %get3A_584 : vector<1x16xf32> to vector<16xf32>
        %gt3A_586 = arith.constant 0.000000e+00 : f32
        %gt3A_587 = vector.broadcast %gt3A_586 : f32 to vector<16xf32>
        %gt3A_588 = arith.cmpf ogt, %get3A_585, %gt3A_587 : vector<16xf32>
        %ge3A_589 = arith.constant 0.000000e+00 : f32
        %ge3A_590 = vector.broadcast %ge3A_589 : f32 to vector<16xf32>
        %ge3A_591 = arith.cmpf oge, %get3A_580, %ge3A_590 : vector<16xf32>
        %ne3A_592 = arith.xori %ge3A_591, %gt3A_588 : vector<16xi1>
        %abs3A_593 = math.absf %get3A_580 : vector<16xf32>
        %neg3A_594 = arith.constant 0.000000e+00 : f32
        %neg3A_595 = vector.broadcast %neg3A_594 : f32 to vector<16xf32>
        %neg3A_596 = arith.subf %neg3A_595, %abs3A_593 : vector<16xf32>
        %exp3A_597 = math.exp %neg3A_596 : vector<16xf32>
        %add3A_598 = arith.constant 1.000000e+00 : f32
        %add3A_599 = vector.broadcast %add3A_598 : f32 to vector<16xf32>
        %add3A_600 = arith.addf %add3A_599, %exp3A_597 : vector<16xf32>
        %div3A_601 = arith.constant 1.000000e+00 : f32
        %div3A_602 = vector.broadcast %div3A_601 : f32 to vector<16xf32>
        %div3A_603 = arith.divf %div3A_602, %add3A_600 : vector<16xf32>
        %sub3A_604 = arith.constant 1.000000e+00 : f32
        %sub3A_605 = vector.broadcast %sub3A_604 : f32 to vector<16xf32>
        %sub3A_606 = arith.subf %sub3A_605, %div3A_603 : vector<16xf32>
        %select_n3A_607 = arith.select %ne3A_592, %div3A_603, %sub3A_606 : vector<16xi1>, vector<16xf32>
        %mul3A_608 = arith.constant -0.0174140781 : f32
        %mul3A_609 = vector.broadcast %mul3A_608 : f32 to vector<16xf32>
        %mul3A_610 = arith.mulf %exp3A_597, %mul3A_609 : vector<16xf32>
        %add3A_611 = arith.constant 0.0826912373 : f32
        %add3A_612 = vector.broadcast %add3A_611 : f32 to vector<16xf32>
        %add3A_613 = arith.addf %add3A_612, %mul3A_610 : vector<16xf32>
        %mul3A_614 = arith.mulf %exp3A_597, %add3A_613 : vector<16xf32>
        %add3A_615 = arith.constant -0.190354332 : f32
        %add3A_616 = vector.broadcast %add3A_615 : f32 to vector<16xf32>
        %add3A_617 = arith.addf %add3A_616, %mul3A_614 : vector<16xf32>
        %mul3A_618 = arith.mulf %exp3A_597, %add3A_617 : vector<16xf32>
        %add3A_619 = arith.constant 0.315747321 : f32
        %add3A_620 = vector.broadcast %add3A_619 : f32 to vector<16xf32>
        %add3A_621 = arith.addf %add3A_620, %mul3A_618 : vector<16xf32>
        %mul3A_622 = arith.mulf %exp3A_597, %add3A_621 : vector<16xf32>
        %add3A_623 = arith.constant -0.497373223 : f32
        %add3A_624 = vector.broadcast %add3A_623 : f32 to vector<16xf32>
        %add3A_625 = arith.addf %add3A_624, %mul3A_622 : vector<16xf32>
        %mul3A_626 = arith.mulf %exp3A_597, %add3A_625 : vector<16xf32>
        %add3A_627 = arith.constant 0.99984771 : f32
        %add3A_628 = vector.broadcast %add3A_627 : f32 to vector<16xf32>
        %add3A_629 = arith.addf %add3A_628, %mul3A_626 : vector<16xf32>
        %mul3A_630 = arith.mulf %exp3A_597, %add3A_629 : vector<16xf32>
        %add3A_631 = arith.constant 1.47206504E-6 : f32
        %add3A_632 = vector.broadcast %add3A_631 : f32 to vector<16xf32>
        %add3A_633 = arith.addf %add3A_632, %mul3A_630 : vector<16xf32>
        %jit3A_634 = arith.constant 0.000000e+00 : f32
        %broadcast_in_dim3A_635 = vector.broadcast %jit3A_634 : f32 to vector<16xf32>
        %select_n3A_636 = arith.select %ne3A_592, %abs3A_593, %broadcast_in_dim3A_635 : vector<16xi1>, vector<16xf32>
        %add3A_637 = arith.addf %select_n3A_636, %add3A_633 : vector<16xf32>
        %jit3A_638 = arith.constant 2.500000e-01 : f32
        %jit3A_639 = arith.constant 7.500000e-01 : f32
        %broadcast_in_dim3A_640 = vector.broadcast %jit3A_638 : f32 to vector<16xf32>
        %broadcast_in_dim3A_641 = vector.broadcast %jit3A_639 : f32 to vector<16xf32>
        %select_n3A_642 = arith.select %gt3A_588, %broadcast_in_dim3A_640, %broadcast_in_dim3A_641 : vector<16xi1>, vector<16xf32>
        %mul3A_643 = arith.mulf %select_n3A_642, %add3A_637 : vector<16xf32>
        %mul3A_644 = arith.mulf %select_n3A_607, %select_n3A_607 : vector<16xf32>
        %mul3A_645 = arith.mulf %mul3A_643, %mul3A_644 : vector<16xf32>
        %add3A_646 = arith.addf %add3A_574, %mul3A_645 : vector<16xf32>
        %add3A_647 = arith.addf %add3A_575, %get3A_585 : vector<16xf32>
        scf.yield %add3A_646, %add3A_647 : vector<16xf32>, vector<16xf32>
      }
      %scan3A_52 = arith.constant 128 : i32
      %add3A_53 = arith.constant 2 : i32
      %add3A_54 = arith.addi %mul3A_39, %add3A_53 : i32
      %lt3A = arith.constant 8 : i32
      %lt3A_55 = arith.cmpi slt, %add3A_54, %lt3A : i32
      %convert_element_type3A = arith.extui %lt3A_55 : i1 to i32
      %cond3A = arith.constant 0 : i32
      %cond3A_56 = arith.cmpi ne, %convert_element_type3A, %cond3A : i32
      scf.if %cond3A_56 {
        %add3A_78 = arith.constant 2 : i32
        %add3A_79 = arith.addi %mul3A_39, %add3A_78 : i32
        %mul3A_80 = arith.constant 2048 : i32
        %mul3A_81 = arith.muli %add3A_79, %mul3A_80 : i32
        %dma_start3A_82 = tpu.memref_slice %arg2[%mul3A_2, %mul3A_81] : memref<1024x16384xf32, #tpu.memory_space<hbm>> -> memref<8x2048xf32, #tpu.memory_space<hbm>>
        %dma_start3A_83 = tpu.memref_slice %arg2[%mul3A_2, %mul3A_81] : memref<1024x16384xf32, #tpu.memory_space<hbm>> -> memref<8x2048xf32, #tpu.memory_space<hbm>>
        tpu.enqueue_dma source(%dma_start3A_83 : memref<8x2048xf32, #tpu.memory_space<hbm>>) target(%arg6 : memref<8x2048xf32, #tpu.memory_space<vmem>>) target_semaphore(%arg11 : memref<!tpu.dma_semaphore, #tpu.memory_space<semaphore_mem>>)
        %dma_start3A_84 = tpu.memref_slice %arg3[%mul3A_2, %mul3A_81] : memref<1024x16384xf32, #tpu.memory_space<hbm>> -> memref<8x2048xf32, #tpu.memory_space<hbm>>
        %dma_start3A_85 = tpu.memref_slice %arg3[%mul3A_2, %mul3A_81] : memref<1024x16384xf32, #tpu.memory_space<hbm>> -> memref<8x2048xf32, #tpu.memory_space<hbm>>
        tpu.enqueue_dma source(%dma_start3A_85 : memref<8x2048xf32, #tpu.memory_space<hbm>>) target(%arg7 : memref<8x2048xf32, #tpu.memory_space<vmem>>) target_semaphore(%arg11 : memref<!tpu.dma_semaphore, #tpu.memory_space<semaphore_mem>>)
      } else {
      }
      %dma_wait3A_57 = arith.constant 0 : i32
      %dma_wait3A_58 = tpu.memref_slice %arg2[%mul3A_2, %dma_wait3A_57] : memref<1024x16384xf32, #tpu.memory_space<hbm>> -> memref<8x2048xf32, #tpu.memory_space<hbm>>
      %dma_wait3A_59 = arith.constant 0 : i32
      %dma_wait3A_60 = tpu.memref_slice %arg2[%mul3A_2, %dma_wait3A_59] : memref<1024x16384xf32, #tpu.memory_space<hbm>> -> memref<8x2048xf32, #tpu.memory_space<hbm>>
      tpu.wait_dma2 semaphore(%arg12 : memref<!tpu.dma_semaphore, #tpu.memory_space<semaphore_mem>>) src(%dma_wait3A_60 : memref<8x2048xf32, #tpu.memory_space<hbm>>) dst(%arg8 : memref<8x2048xf32, #tpu.memory_space<vmem>>)
      %dma_wait3A_61 = arith.constant 0 : i32
      %dma_wait3A_62 = tpu.memref_slice %arg3[%mul3A_2, %dma_wait3A_61] : memref<1024x16384xf32, #tpu.memory_space<hbm>> -> memref<8x2048xf32, #tpu.memory_space<hbm>>
      %dma_wait3A_63 = arith.constant 0 : i32
      %dma_wait3A_64 = tpu.memref_slice %arg3[%mul3A_2, %dma_wait3A_63] : memref<1024x16384xf32, #tpu.memory_space<hbm>> -> memref<8x2048xf32, #tpu.memory_space<hbm>>
      tpu.wait_dma2 semaphore(%arg12 : memref<!tpu.dma_semaphore, #tpu.memory_space<semaphore_mem>>) src(%dma_wait3A_64 : memref<8x2048xf32, #tpu.memory_space<hbm>>) dst(%arg9 : memref<8x2048xf32, #tpu.memory_space<vmem>>)
      %scan3A_65 = arith.constant 0 : i32
      %scan3A_66 = arith.constant 128 : i32
      %scan3A_67 = arith.addi %scan3A_65, %scan3A_66 : i32
      %scan3A_68 = arith.constant 1 : i32
      %scan3A_69:2 = scf.for %scan3A_78 = %scan3A_65 to %scan3A_67 step %scan3A_68 iter_args(%scan3A_79 = %scan3A_51#0, %scan3A_80 = %scan3A_51#1) -> (vector<16xf32>, vector<16xf32>)  : i32 {
        %mul3A_81 = arith.constant 16 : i32
        %mul3A_82 = arith.muli %scan3A_78, %mul3A_81 : i32
        %get3A = arith.constant 0 : i32
        %get3A_83 = arith.index_cast %get3A : i32 to index
        %get3A_84 = arith.index_cast %mul3A_82 : i32 to index
        %get3A_85 = tpu.vector_load %arg8[%get3A_83, %get3A_84] {strides = array<i32>} : memref<8x2048xf32, #tpu.memory_space<vmem>>, vector<1x16xf32>,
        %get3A_86 = vector.shape_cast %get3A_85 : vector<1x16xf32> to vector<16xf32>
        %get3A_87 = arith.constant 0 : i32
        %get3A_88 = arith.index_cast %get3A_87 : i32 to index
        %get3A_89 = arith.index_cast %mul3A_82 : i32 to index
        %get3A_90 = tpu.vector_load %arg9[%get3A_88, %get3A_89] {strides = array<i32>} : memref<8x2048xf32, #tpu.memory_space<vmem>>, vector<1x16xf32>,
        %get3A_91 = vector.shape_cast %get3A_90 : vector<1x16xf32> to vector<16xf32>
        %gt3A = arith.constant 0.000000e+00 : f32
        %gt3A_92 = vector.broadcast %gt3A : f32 to vector<16xf32>
        %gt3A_93 = arith.cmpf ogt, %get3A_91, %gt3A_92 : vector<16xf32>
        %ge3A = arith.constant 0.000000e+00 : f32
        %ge3A_94 = vector.broadcast %ge3A : f32 to vector<16xf32>
        %ge3A_95 = arith.cmpf oge, %get3A_86, %ge3A_94 : vector<16xf32>
        %ne3A = arith.xori %ge3A_95, %gt3A_93 : vector<16xi1>
        %abs3A = math.absf %get3A_86 : vector<16xf32>
        %neg3A = arith.constant 0.000000e+00 : f32
        %neg3A_96 = vector.broadcast %neg3A : f32 to vector<16xf32>
        %neg3A_97 = arith.subf %neg3A_96, %abs3A : vector<16xf32>
        %exp3A = math.exp %neg3A_97 : vector<16xf32>
        %add3A_98 = arith.constant 1.000000e+00 : f32
        %add3A_99 = vector.broadcast %add3A_98 : f32 to vector<16xf32>
        %add3A_100 = arith.addf %add3A_99, %exp3A : vector<16xf32>
        %div3A = arith.constant 1.000000e+00 : f32
        %div3A_101 = vector.broadcast %div3A : f32 to vector<16xf32>
        %div3A_102 = arith.divf %div3A_101, %add3A_100 : vector<16xf32>
        %sub3A = arith.constant 1.000000e+00 : f32
        %sub3A_103 = vector.broadcast %sub3A : f32 to vector<16xf32>
        %sub3A_104 = arith.subf %sub3A_103, %div3A_102 : vector<16xf32>
        %select_n3A = arith.select %ne3A, %div3A_102, %sub3A_104 : vector<16xi1>, vector<16xf32>
        %mul3A_105 = arith.constant -0.0174140781 : f32
        %mul3A_106 = vector.broadcast %mul3A_105 : f32 to vector<16xf32>
        %mul3A_107 = arith.mulf %exp3A, %mul3A_106 : vector<16xf32>
        %add3A_108 = arith.constant 0.0826912373 : f32
        %add3A_109 = vector.broadcast %add3A_108 : f32 to vector<16xf32>
        %add3A_110 = arith.addf %add3A_109, %mul3A_107 : vector<16xf32>
        %mul3A_111 = arith.mulf %exp3A, %add3A_110 : vector<16xf32>
        %add3A_112 = arith.constant -0.190354332 : f32
        %add3A_113 = vector.broadcast %add3A_112 : f32 to vector<16xf32>
        %add3A_114 = arith.addf %add3A_113, %mul3A_111 : vector<16xf32>
        %mul3A_115 = arith.mulf %exp3A, %add3A_114 : vector<16xf32>
        %add3A_116 = arith.constant 0.315747321 : f32
        %add3A_117 = vector.broadcast %add3A_116 : f32 to vector<16xf32>
        %add3A_118 = arith.addf %add3A_117, %mul3A_115 : vector<16xf32>
        %mul3A_119 = arith.mulf %exp3A, %add3A_118 : vector<16xf32>
        %add3A_120 = arith.constant -0.497373223 : f32
        %add3A_121 = vector.broadcast %add3A_120 : f32 to vector<16xf32>
        %add3A_122 = arith.addf %add3A_121, %mul3A_119 : vector<16xf32>
        %mul3A_123 = arith.mulf %exp3A, %add3A_122 : vector<16xf32>
        %add3A_124 = arith.constant 0.99984771 : f32
        %add3A_125 = vector.broadcast %add3A_124 : f32 to vector<16xf32>
        %add3A_126 = arith.addf %add3A_125, %mul3A_123 : vector<16xf32>
        %mul3A_127 = arith.mulf %exp3A, %add3A_126 : vector<16xf32>
        %add3A_128 = arith.constant 1.47206504E-6 : f32
        %add3A_129 = vector.broadcast %add3A_128 : f32 to vector<16xf32>
        %add3A_130 = arith.addf %add3A_129, %mul3A_127 : vector<16xf32>
        %jit3A = arith.constant 0.000000e+00 : f32
        %broadcast_in_dim3A_131 = vector.broadcast %jit3A : f32 to vector<16xf32>
        %select_n3A_132 = arith.select %ne3A, %abs3A, %broadcast_in_dim3A_131 : vector<16xi1>, vector<16xf32>
        %add3A_133 = arith.addf %select_n3A_132, %add3A_130 : vector<16xf32>
        %jit3A_134 = arith.constant 2.500000e-01 : f32
        %jit3A_135 = arith.constant 7.500000e-01 : f32
        %broadcast_in_dim3A_136 = vector.broadcast %jit3A_134 : f32 to vector<16xf32>
        %broadcast_in_dim3A_137 = vector.broadcast %jit3A_135 : f32 to vector<16xf32>
        %select_n3A_138 = arith.select %gt3A_93, %broadcast_in_dim3A_136, %broadcast_in_dim3A_137 : vector<16xi1>, vector<16xf32>
        %mul3A_139 = arith.mulf %select_n3A_138, %add3A_133 : vector<16xf32>
        %mul3A_140 = arith.mulf %select_n3A, %select_n3A : vector<16xf32>
        %mul3A_141 = arith.mulf %mul3A_139, %mul3A_140 : vector<16xf32>
        %add3A_142 = arith.addf %scan3A_79, %mul3A_141 : vector<16xf32>
        %add3A_143 = arith.addf %scan3A_80, %get3A_91 : vector<16xf32>
        %get3A_144 = arith.constant 1 : i32
        %get3A_145 = arith.index_cast %get3A_144 : i32 to index
        %get3A_146 = arith.index_cast %mul3A_82 : i32 to index
        %get3A_147 = tpu.vector_load %arg8[%get3A_145, %get3A_146] {strides = array<i32>} : memref<8x2048xf32, #tpu.memory_space<vmem>>, vector<1x16xf32>,
        %get3A_148 = vector.shape_cast %get3A_147 : vector<1x16xf32> to vector<16xf32>
        %get3A_149 = arith.constant 1 : i32
        %get3A_150 = arith.index_cast %get3A_149 : i32 to index
        %get3A_151 = arith.index_cast %mul3A_82 : i32 to index
        %get3A_152 = tpu.vector_load %arg9[%get3A_150, %get3A_151] {strides = array<i32>} : memref<8x2048xf32, #tpu.memory_space<vmem>>, vector<1x16xf32>,
        %get3A_153 = vector.shape_cast %get3A_152 : vector<1x16xf32> to vector<16xf32>
        %gt3A_154 = arith.constant 0.000000e+00 : f32
        %gt3A_155 = vector.broadcast %gt3A_154 : f32 to vector<16xf32>
        %gt3A_156 = arith.cmpf ogt, %get3A_153, %gt3A_155 : vector<16xf32>
        %ge3A_157 = arith.constant 0.000000e+00 : f32
        %ge3A_158 = vector.broadcast %ge3A_157 : f32 to vector<16xf32>
        %ge3A_159 = arith.cmpf oge, %get3A_148, %ge3A_158 : vector<16xf32>
        %ne3A_160 = arith.xori %ge3A_159, %gt3A_156 : vector<16xi1>
        %abs3A_161 = math.absf %get3A_148 : vector<16xf32>
        %neg3A_162 = arith.constant 0.000000e+00 : f32
        %neg3A_163 = vector.broadcast %neg3A_162 : f32 to vector<16xf32>
        %neg3A_164 = arith.subf %neg3A_163, %abs3A_161 : vector<16xf32>
        %exp3A_165 = math.exp %neg3A_164 : vector<16xf32>
        %add3A_166 = arith.constant 1.000000e+00 : f32
        %add3A_167 = vector.broadcast %add3A_166 : f32 to vector<16xf32>
        %add3A_168 = arith.addf %add3A_167, %exp3A_165 : vector<16xf32>
        %div3A_169 = arith.constant 1.000000e+00 : f32
        %div3A_170 = vector.broadcast %div3A_169 : f32 to vector<16xf32>
        %div3A_171 = arith.divf %div3A_170, %add3A_168 : vector<16xf32>
        %sub3A_172 = arith.constant 1.000000e+00 : f32
        %sub3A_173 = vector.broadcast %sub3A_172 : f32 to vector<16xf32>
        %sub3A_174 = arith.subf %sub3A_173, %div3A_171 : vector<16xf32>
        %select_n3A_175 = arith.select %ne3A_160, %div3A_171, %sub3A_174 : vector<16xi1>, vector<16xf32>
        %mul3A_176 = arith.constant -0.0174140781 : f32
        %mul3A_177 = vector.broadcast %mul3A_176 : f32 to vector<16xf32>
        %mul3A_178 = arith.mulf %exp3A_165, %mul3A_177 : vector<16xf32>
        %add3A_179 = arith.constant 0.0826912373 : f32
        %add3A_180 = vector.broadcast %add3A_179 : f32 to vector<16xf32>
        %add3A_181 = arith.addf %add3A_180, %mul3A_178 : vector<16xf32>
        %mul3A_182 = arith.mulf %exp3A_165, %add3A_181 : vector<16xf32>
        %add3A_183 = arith.constant -0.190354332 : f32
        %add3A_184 = vector.broadcast %add3A_183 : f32 to vector<16xf32>
        %add3A_185 = arith.addf %add3A_184, %mul3A_182 : vector<16xf32>
        %mul3A_186 = arith.mulf %exp3A_165, %add3A_185 : vector<16xf32>
        %add3A_187 = arith.constant 0.315747321 : f32
        %add3A_188 = vector.broadcast %add3A_187 : f32 to vector<16xf32>
        %add3A_189 = arith.addf %add3A_188, %mul3A_186 : vector<16xf32>
        %mul3A_190 = arith.mulf %exp3A_165, %add3A_189 : vector<16xf32>
        %add3A_191 = arith.constant -0.497373223 : f32
        %add3A_192 = vector.broadcast %add3A_191 : f32 to vector<16xf32>
        %add3A_193 = arith.addf %add3A_192, %mul3A_190 : vector<16xf32>
        %mul3A_194 = arith.mulf %exp3A_165, %add3A_193 : vector<16xf32>
        %add3A_195 = arith.constant 0.99984771 : f32
        %add3A_196 = vector.broadcast %add3A_195 : f32 to vector<16xf32>
        %add3A_197 = arith.addf %add3A_196, %mul3A_194 : vector<16xf32>
        %mul3A_198 = arith.mulf %exp3A_165, %add3A_197 : vector<16xf32>
        %add3A_199 = arith.constant 1.47206504E-6 : f32
        %add3A_200 = vector.broadcast %add3A_199 : f32 to vector<16xf32>
        %add3A_201 = arith.addf %add3A_200, %mul3A_198 : vector<16xf32>
        %jit3A_202 = arith.constant 0.000000e+00 : f32
        %broadcast_in_dim3A_203 = vector.broadcast %jit3A_202 : f32 to vector<16xf32>
        %select_n3A_204 = arith.select %ne3A_160, %abs3A_161, %broadcast_in_dim3A_203 : vector<16xi1>, vector<16xf32>
        %add3A_205 = arith.addf %select_n3A_204, %add3A_201 : vector<16xf32>
        %jit3A_206 = arith.constant 2.500000e-01 : f32
        %jit3A_207 = arith.constant 7.500000e-01 : f32
        %broadcast_in_dim3A_208 = vector.broadcast %jit3A_206 : f32 to vector<16xf32>
        %broadcast_in_dim3A_209 = vector.broadcast %jit3A_207 : f32 to vector<16xf32>
        %select_n3A_210 = arith.select %gt3A_156, %broadcast_in_dim3A_208, %broadcast_in_dim3A_209 : vector<16xi1>, vector<16xf32>
        %mul3A_211 = arith.mulf %select_n3A_210, %add3A_205 : vector<16xf32>
        %mul3A_212 = arith.mulf %select_n3A_175, %select_n3A_175 : vector<16xf32>
        %mul3A_213 = arith.mulf %mul3A_211, %mul3A_212 : vector<16xf32>
        %add3A_214 = arith.addf %add3A_142, %mul3A_213 : vector<16xf32>
        %add3A_215 = arith.addf %add3A_143, %get3A_153 : vector<16xf32>
        %get3A_216 = arith.constant 2 : i32
        %get3A_217 = arith.index_cast %get3A_216 : i32 to index
        %get3A_218 = arith.index_cast %mul3A_82 : i32 to index
        %get3A_219 = tpu.vector_load %arg8[%get3A_217, %get3A_218] {strides = array<i32>} : memref<8x2048xf32, #tpu.memory_space<vmem>>, vector<1x16xf32>,
        %get3A_220 = vector.shape_cast %get3A_219 : vector<1x16xf32> to vector<16xf32>
        %get3A_221 = arith.constant 2 : i32
        %get3A_222 = arith.index_cast %get3A_221 : i32 to index
        %get3A_223 = arith.index_cast %mul3A_82 : i32 to index
        %get3A_224 = tpu.vector_load %arg9[%get3A_222, %get3A_223] {strides = array<i32>} : memref<8x2048xf32, #tpu.memory_space<vmem>>, vector<1x16xf32>,
        %get3A_225 = vector.shape_cast %get3A_224 : vector<1x16xf32> to vector<16xf32>
        %gt3A_226 = arith.constant 0.000000e+00 : f32
        %gt3A_227 = vector.broadcast %gt3A_226 : f32 to vector<16xf32>
        %gt3A_228 = arith.cmpf ogt, %get3A_225, %gt3A_227 : vector<16xf32>
        %ge3A_229 = arith.constant 0.000000e+00 : f32
        %ge3A_230 = vector.broadcast %ge3A_229 : f32 to vector<16xf32>
        %ge3A_231 = arith.cmpf oge, %get3A_220, %ge3A_230 : vector<16xf32>
        %ne3A_232 = arith.xori %ge3A_231, %gt3A_228 : vector<16xi1>
        %abs3A_233 = math.absf %get3A_220 : vector<16xf32>
        %neg3A_234 = arith.constant 0.000000e+00 : f32
        %neg3A_235 = vector.broadcast %neg3A_234 : f32 to vector<16xf32>
        %neg3A_236 = arith.subf %neg3A_235, %abs3A_233 : vector<16xf32>
        %exp3A_237 = math.exp %neg3A_236 : vector<16xf32>
        %add3A_238 = arith.constant 1.000000e+00 : f32
        %add3A_239 = vector.broadcast %add3A_238 : f32 to vector<16xf32>
        %add3A_240 = arith.addf %add3A_239, %exp3A_237 : vector<16xf32>
        %div3A_241 = arith.constant 1.000000e+00 : f32
        %div3A_242 = vector.broadcast %div3A_241 : f32 to vector<16xf32>
        %div3A_243 = arith.divf %div3A_242, %add3A_240 : vector<16xf32>
        %sub3A_244 = arith.constant 1.000000e+00 : f32
        %sub3A_245 = vector.broadcast %sub3A_244 : f32 to vector<16xf32>
        %sub3A_246 = arith.subf %sub3A_245, %div3A_243 : vector<16xf32>
        %select_n3A_247 = arith.select %ne3A_232, %div3A_243, %sub3A_246 : vector<16xi1>, vector<16xf32>
        %mul3A_248 = arith.constant -0.0174140781 : f32
        %mul3A_249 = vector.broadcast %mul3A_248 : f32 to vector<16xf32>
        %mul3A_250 = arith.mulf %exp3A_237, %mul3A_249 : vector<16xf32>
        %add3A_251 = arith.constant 0.0826912373 : f32
        %add3A_252 = vector.broadcast %add3A_251 : f32 to vector<16xf32>
        %add3A_253 = arith.addf %add3A_252, %mul3A_250 : vector<16xf32>
        %mul3A_254 = arith.mulf %exp3A_237, %add3A_253 : vector<16xf32>
        %add3A_255 = arith.constant -0.190354332 : f32
        %add3A_256 = vector.broadcast %add3A_255 : f32 to vector<16xf32>
        %add3A_257 = arith.addf %add3A_256, %mul3A_254 : vector<16xf32>
        %mul3A_258 = arith.mulf %exp3A_237, %add3A_257 : vector<16xf32>
        %add3A_259 = arith.constant 0.315747321 : f32
        %add3A_260 = vector.broadcast %add3A_259 : f32 to vector<16xf32>
        %add3A_261 = arith.addf %add3A_260, %mul3A_258 : vector<16xf32>
        %mul3A_262 = arith.mulf %exp3A_237, %add3A_261 : vector<16xf32>
        %add3A_263 = arith.constant -0.497373223 : f32
        %add3A_264 = vector.broadcast %add3A_263 : f32 to vector<16xf32>
        %add3A_265 = arith.addf %add3A_264, %mul3A_262 : vector<16xf32>
        %mul3A_266 = arith.mulf %exp3A_237, %add3A_265 : vector<16xf32>
        %add3A_267 = arith.constant 0.99984771 : f32
        %add3A_268 = vector.broadcast %add3A_267 : f32 to vector<16xf32>
        %add3A_269 = arith.addf %add3A_268, %mul3A_266 : vector<16xf32>
        %mul3A_270 = arith.mulf %exp3A_237, %add3A_269 : vector<16xf32>
        %add3A_271 = arith.constant 1.47206504E-6 : f32
        %add3A_272 = vector.broadcast %add3A_271 : f32 to vector<16xf32>
        %add3A_273 = arith.addf %add3A_272, %mul3A_270 : vector<16xf32>
        %jit3A_274 = arith.constant 0.000000e+00 : f32
        %broadcast_in_dim3A_275 = vector.broadcast %jit3A_274 : f32 to vector<16xf32>
        %select_n3A_276 = arith.select %ne3A_232, %abs3A_233, %broadcast_in_dim3A_275 : vector<16xi1>, vector<16xf32>
        %add3A_277 = arith.addf %select_n3A_276, %add3A_273 : vector<16xf32>
        %jit3A_278 = arith.constant 2.500000e-01 : f32
        %jit3A_279 = arith.constant 7.500000e-01 : f32
        %broadcast_in_dim3A_280 = vector.broadcast %jit3A_278 : f32 to vector<16xf32>
        %broadcast_in_dim3A_281 = vector.broadcast %jit3A_279 : f32 to vector<16xf32>
        %select_n3A_282 = arith.select %gt3A_228, %broadcast_in_dim3A_280, %broadcast_in_dim3A_281 : vector<16xi1>, vector<16xf32>
        %mul3A_283 = arith.mulf %select_n3A_282, %add3A_277 : vector<16xf32>
        %mul3A_284 = arith.mulf %select_n3A_247, %select_n3A_247 : vector<16xf32>
        %mul3A_285 = arith.mulf %mul3A_283, %mul3A_284 : vector<16xf32>
        %add3A_286 = arith.addf %add3A_214, %mul3A_285 : vector<16xf32>
        %add3A_287 = arith.addf %add3A_215, %get3A_225 : vector<16xf32>
        %get3A_288 = arith.constant 3 : i32
        %get3A_289 = arith.index_cast %get3A_288 : i32 to index
        %get3A_290 = arith.index_cast %mul3A_82 : i32 to index
        %get3A_291 = tpu.vector_load %arg8[%get3A_289, %get3A_290] {strides = array<i32>} : memref<8x2048xf32, #tpu.memory_space<vmem>>, vector<1x16xf32>,
        %get3A_292 = vector.shape_cast %get3A_291 : vector<1x16xf32> to vector<16xf32>
        %get3A_293 = arith.constant 3 : i32
        %get3A_294 = arith.index_cast %get3A_293 : i32 to index
        %get3A_295 = arith.index_cast %mul3A_82 : i32 to index
        %get3A_296 = tpu.vector_load %arg9[%get3A_294, %get3A_295] {strides = array<i32>} : memref<8x2048xf32, #tpu.memory_space<vmem>>, vector<1x16xf32>,
        %get3A_297 = vector.shape_cast %get3A_296 : vector<1x16xf32> to vector<16xf32>
        %gt3A_298 = arith.constant 0.000000e+00 : f32
        %gt3A_299 = vector.broadcast %gt3A_298 : f32 to vector<16xf32>
        %gt3A_300 = arith.cmpf ogt, %get3A_297, %gt3A_299 : vector<16xf32>
        %ge3A_301 = arith.constant 0.000000e+00 : f32
        %ge3A_302 = vector.broadcast %ge3A_301 : f32 to vector<16xf32>
        %ge3A_303 = arith.cmpf oge, %get3A_292, %ge3A_302 : vector<16xf32>
        %ne3A_304 = arith.xori %ge3A_303, %gt3A_300 : vector<16xi1>
        %abs3A_305 = math.absf %get3A_292 : vector<16xf32>
        %neg3A_306 = arith.constant 0.000000e+00 : f32
        %neg3A_307 = vector.broadcast %neg3A_306 : f32 to vector<16xf32>
        %neg3A_308 = arith.subf %neg3A_307, %abs3A_305 : vector<16xf32>
        %exp3A_309 = math.exp %neg3A_308 : vector<16xf32>
        %add3A_310 = arith.constant 1.000000e+00 : f32
        %add3A_311 = vector.broadcast %add3A_310 : f32 to vector<16xf32>
        %add3A_312 = arith.addf %add3A_311, %exp3A_309 : vector<16xf32>
        %div3A_313 = arith.constant 1.000000e+00 : f32
        %div3A_314 = vector.broadcast %div3A_313 : f32 to vector<16xf32>
        %div3A_315 = arith.divf %div3A_314, %add3A_312 : vector<16xf32>
        %sub3A_316 = arith.constant 1.000000e+00 : f32
        %sub3A_317 = vector.broadcast %sub3A_316 : f32 to vector<16xf32>
        %sub3A_318 = arith.subf %sub3A_317, %div3A_315 : vector<16xf32>
        %select_n3A_319 = arith.select %ne3A_304, %div3A_315, %sub3A_318 : vector<16xi1>, vector<16xf32>
        %mul3A_320 = arith.constant -0.0174140781 : f32
        %mul3A_321 = vector.broadcast %mul3A_320 : f32 to vector<16xf32>
        %mul3A_322 = arith.mulf %exp3A_309, %mul3A_321 : vector<16xf32>
        %add3A_323 = arith.constant 0.0826912373 : f32
        %add3A_324 = vector.broadcast %add3A_323 : f32 to vector<16xf32>
        %add3A_325 = arith.addf %add3A_324, %mul3A_322 : vector<16xf32>
        %mul3A_326 = arith.mulf %exp3A_309, %add3A_325 : vector<16xf32>
        %add3A_327 = arith.constant -0.190354332 : f32
        %add3A_328 = vector.broadcast %add3A_327 : f32 to vector<16xf32>
        %add3A_329 = arith.addf %add3A_328, %mul3A_326 : vector<16xf32>
        %mul3A_330 = arith.mulf %exp3A_309, %add3A_329 : vector<16xf32>
        %add3A_331 = arith.constant 0.315747321 : f32
        %add3A_332 = vector.broadcast %add3A_331 : f32 to vector<16xf32>
        %add3A_333 = arith.addf %add3A_332, %mul3A_330 : vector<16xf32>
        %mul3A_334 = arith.mulf %exp3A_309, %add3A_333 : vector<16xf32>
        %add3A_335 = arith.constant -0.497373223 : f32
        %add3A_336 = vector.broadcast %add3A_335 : f32 to vector<16xf32>
        %add3A_337 = arith.addf %add3A_336, %mul3A_334 : vector<16xf32>
        %mul3A_338 = arith.mulf %exp3A_309, %add3A_337 : vector<16xf32>
        %add3A_339 = arith.constant 0.99984771 : f32
        %add3A_340 = vector.broadcast %add3A_339 : f32 to vector<16xf32>
        %add3A_341 = arith.addf %add3A_340, %mul3A_338 : vector<16xf32>
        %mul3A_342 = arith.mulf %exp3A_309, %add3A_341 : vector<16xf32>
        %add3A_343 = arith.constant 1.47206504E-6 : f32
        %add3A_344 = vector.broadcast %add3A_343 : f32 to vector<16xf32>
        %add3A_345 = arith.addf %add3A_344, %mul3A_342 : vector<16xf32>
        %jit3A_346 = arith.constant 0.000000e+00 : f32
        %broadcast_in_dim3A_347 = vector.broadcast %jit3A_346 : f32 to vector<16xf32>
        %select_n3A_348 = arith.select %ne3A_304, %abs3A_305, %broadcast_in_dim3A_347 : vector<16xi1>, vector<16xf32>
        %add3A_349 = arith.addf %select_n3A_348, %add3A_345 : vector<16xf32>
        %jit3A_350 = arith.constant 2.500000e-01 : f32
        %jit3A_351 = arith.constant 7.500000e-01 : f32
        %broadcast_in_dim3A_352 = vector.broadcast %jit3A_350 : f32 to vector<16xf32>
        %broadcast_in_dim3A_353 = vector.broadcast %jit3A_351 : f32 to vector<16xf32>
        %select_n3A_354 = arith.select %gt3A_300, %broadcast_in_dim3A_352, %broadcast_in_dim3A_353 : vector<16xi1>, vector<16xf32>
        %mul3A_355 = arith.mulf %select_n3A_354, %add3A_349 : vector<16xf32>
        %mul3A_356 = arith.mulf %select_n3A_319, %select_n3A_319 : vector<16xf32>
        %mul3A_357 = arith.mulf %mul3A_355, %mul3A_356 : vector<16xf32>
        %add3A_358 = arith.addf %add3A_286, %mul3A_357 : vector<16xf32>
        %add3A_359 = arith.addf %add3A_287, %get3A_297 : vector<16xf32>
        %get3A_360 = arith.constant 4 : i32
        %get3A_361 = arith.index_cast %get3A_360 : i32 to index
        %get3A_362 = arith.index_cast %mul3A_82 : i32 to index
        %get3A_363 = tpu.vector_load %arg8[%get3A_361, %get3A_362] {strides = array<i32>} : memref<8x2048xf32, #tpu.memory_space<vmem>>, vector<1x16xf32>,
        %get3A_364 = vector.shape_cast %get3A_363 : vector<1x16xf32> to vector<16xf32>
        %get3A_365 = arith.constant 4 : i32
        %get3A_366 = arith.index_cast %get3A_365 : i32 to index
        %get3A_367 = arith.index_cast %mul3A_82 : i32 to index
        %get3A_368 = tpu.vector_load %arg9[%get3A_366, %get3A_367] {strides = array<i32>} : memref<8x2048xf32, #tpu.memory_space<vmem>>, vector<1x16xf32>,
        %get3A_369 = vector.shape_cast %get3A_368 : vector<1x16xf32> to vector<16xf32>
        %gt3A_370 = arith.constant 0.000000e+00 : f32
        %gt3A_371 = vector.broadcast %gt3A_370 : f32 to vector<16xf32>
        %gt3A_372 = arith.cmpf ogt, %get3A_369, %gt3A_371 : vector<16xf32>
        %ge3A_373 = arith.constant 0.000000e+00 : f32
        %ge3A_374 = vector.broadcast %ge3A_373 : f32 to vector<16xf32>
        %ge3A_375 = arith.cmpf oge, %get3A_364, %ge3A_374 : vector<16xf32>
        %ne3A_376 = arith.xori %ge3A_375, %gt3A_372 : vector<16xi1>
        %abs3A_377 = math.absf %get3A_364 : vector<16xf32>
        %neg3A_378 = arith.constant 0.000000e+00 : f32
        %neg3A_379 = vector.broadcast %neg3A_378 : f32 to vector<16xf32>
        %neg3A_380 = arith.subf %neg3A_379, %abs3A_377 : vector<16xf32>
        %exp3A_381 = math.exp %neg3A_380 : vector<16xf32>
        %add3A_382 = arith.constant 1.000000e+00 : f32
        %add3A_383 = vector.broadcast %add3A_382 : f32 to vector<16xf32>
        %add3A_384 = arith.addf %add3A_383, %exp3A_381 : vector<16xf32>
        %div3A_385 = arith.constant 1.000000e+00 : f32
        %div3A_386 = vector.broadcast %div3A_385 : f32 to vector<16xf32>
        %div3A_387 = arith.divf %div3A_386, %add3A_384 : vector<16xf32>
        %sub3A_388 = arith.constant 1.000000e+00 : f32
        %sub3A_389 = vector.broadcast %sub3A_388 : f32 to vector<16xf32>
        %sub3A_390 = arith.subf %sub3A_389, %div3A_387 : vector<16xf32>
        %select_n3A_391 = arith.select %ne3A_376, %div3A_387, %sub3A_390 : vector<16xi1>, vector<16xf32>
        %mul3A_392 = arith.constant -0.0174140781 : f32
        %mul3A_393 = vector.broadcast %mul3A_392 : f32 to vector<16xf32>
        %mul3A_394 = arith.mulf %exp3A_381, %mul3A_393 : vector<16xf32>
        %add3A_395 = arith.constant 0.0826912373 : f32
        %add3A_396 = vector.broadcast %add3A_395 : f32 to vector<16xf32>
        %add3A_397 = arith.addf %add3A_396, %mul3A_394 : vector<16xf32>
        %mul3A_398 = arith.mulf %exp3A_381, %add3A_397 : vector<16xf32>
        %add3A_399 = arith.constant -0.190354332 : f32
        %add3A_400 = vector.broadcast %add3A_399 : f32 to vector<16xf32>
        %add3A_401 = arith.addf %add3A_400, %mul3A_398 : vector<16xf32>
        %mul3A_402 = arith.mulf %exp3A_381, %add3A_401 : vector<16xf32>
        %add3A_403 = arith.constant 0.315747321 : f32
        %add3A_404 = vector.broadcast %add3A_403 : f32 to vector<16xf32>
        %add3A_405 = arith.addf %add3A_404, %mul3A_402 : vector<16xf32>
        %mul3A_406 = arith.mulf %exp3A_381, %add3A_405 : vector<16xf32>
        %add3A_407 = arith.constant -0.497373223 : f32
        %add3A_408 = vector.broadcast %add3A_407 : f32 to vector<16xf32>
        %add3A_409 = arith.addf %add3A_408, %mul3A_406 : vector<16xf32>
        %mul3A_410 = arith.mulf %exp3A_381, %add3A_409 : vector<16xf32>
        %add3A_411 = arith.constant 0.99984771 : f32
        %add3A_412 = vector.broadcast %add3A_411 : f32 to vector<16xf32>
        %add3A_413 = arith.addf %add3A_412, %mul3A_410 : vector<16xf32>
        %mul3A_414 = arith.mulf %exp3A_381, %add3A_413 : vector<16xf32>
        %add3A_415 = arith.constant 1.47206504E-6 : f32
        %add3A_416 = vector.broadcast %add3A_415 : f32 to vector<16xf32>
        %add3A_417 = arith.addf %add3A_416, %mul3A_414 : vector<16xf32>
        %jit3A_418 = arith.constant 0.000000e+00 : f32
        %broadcast_in_dim3A_419 = vector.broadcast %jit3A_418 : f32 to vector<16xf32>
        %select_n3A_420 = arith.select %ne3A_376, %abs3A_377, %broadcast_in_dim3A_419 : vector<16xi1>, vector<16xf32>
        %add3A_421 = arith.addf %select_n3A_420, %add3A_417 : vector<16xf32>
        %jit3A_422 = arith.constant 2.500000e-01 : f32
        %jit3A_423 = arith.constant 7.500000e-01 : f32
        %broadcast_in_dim3A_424 = vector.broadcast %jit3A_422 : f32 to vector<16xf32>
        %broadcast_in_dim3A_425 = vector.broadcast %jit3A_423 : f32 to vector<16xf32>
        %select_n3A_426 = arith.select %gt3A_372, %broadcast_in_dim3A_424, %broadcast_in_dim3A_425 : vector<16xi1>, vector<16xf32>
        %mul3A_427 = arith.mulf %select_n3A_426, %add3A_421 : vector<16xf32>
        %mul3A_428 = arith.mulf %select_n3A_391, %select_n3A_391 : vector<16xf32>
        %mul3A_429 = arith.mulf %mul3A_427, %mul3A_428 : vector<16xf32>
        %add3A_430 = arith.addf %add3A_358, %mul3A_429 : vector<16xf32>
        %add3A_431 = arith.addf %add3A_359, %get3A_369 : vector<16xf32>
        %get3A_432 = arith.constant 5 : i32
        %get3A_433 = arith.index_cast %get3A_432 : i32 to index
        %get3A_434 = arith.index_cast %mul3A_82 : i32 to index
        %get3A_435 = tpu.vector_load %arg8[%get3A_433, %get3A_434] {strides = array<i32>} : memref<8x2048xf32, #tpu.memory_space<vmem>>, vector<1x16xf32>,
        %get3A_436 = vector.shape_cast %get3A_435 : vector<1x16xf32> to vector<16xf32>
        %get3A_437 = arith.constant 5 : i32
        %get3A_438 = arith.index_cast %get3A_437 : i32 to index
        %get3A_439 = arith.index_cast %mul3A_82 : i32 to index
        %get3A_440 = tpu.vector_load %arg9[%get3A_438, %get3A_439] {strides = array<i32>} : memref<8x2048xf32, #tpu.memory_space<vmem>>, vector<1x16xf32>,
        %get3A_441 = vector.shape_cast %get3A_440 : vector<1x16xf32> to vector<16xf32>
        %gt3A_442 = arith.constant 0.000000e+00 : f32
        %gt3A_443 = vector.broadcast %gt3A_442 : f32 to vector<16xf32>
        %gt3A_444 = arith.cmpf ogt, %get3A_441, %gt3A_443 : vector<16xf32>
        %ge3A_445 = arith.constant 0.000000e+00 : f32
        %ge3A_446 = vector.broadcast %ge3A_445 : f32 to vector<16xf32>
        %ge3A_447 = arith.cmpf oge, %get3A_436, %ge3A_446 : vector<16xf32>
        %ne3A_448 = arith.xori %ge3A_447, %gt3A_444 : vector<16xi1>
        %abs3A_449 = math.absf %get3A_436 : vector<16xf32>
        %neg3A_450 = arith.constant 0.000000e+00 : f32
        %neg3A_451 = vector.broadcast %neg3A_450 : f32 to vector<16xf32>
        %neg3A_452 = arith.subf %neg3A_451, %abs3A_449 : vector<16xf32>
        %exp3A_453 = math.exp %neg3A_452 : vector<16xf32>
        %add3A_454 = arith.constant 1.000000e+00 : f32
        %add3A_455 = vector.broadcast %add3A_454 : f32 to vector<16xf32>
        %add3A_456 = arith.addf %add3A_455, %exp3A_453 : vector<16xf32>
        %div3A_457 = arith.constant 1.000000e+00 : f32
        %div3A_458 = vector.broadcast %div3A_457 : f32 to vector<16xf32>
        %div3A_459 = arith.divf %div3A_458, %add3A_456 : vector<16xf32>
        %sub3A_460 = arith.constant 1.000000e+00 : f32
        %sub3A_461 = vector.broadcast %sub3A_460 : f32 to vector<16xf32>
        %sub3A_462 = arith.subf %sub3A_461, %div3A_459 : vector<16xf32>
        %select_n3A_463 = arith.select %ne3A_448, %div3A_459, %sub3A_462 : vector<16xi1>, vector<16xf32>
        %mul3A_464 = arith.constant -0.0174140781 : f32
        %mul3A_465 = vector.broadcast %mul3A_464 : f32 to vector<16xf32>
        %mul3A_466 = arith.mulf %exp3A_453, %mul3A_465 : vector<16xf32>
        %add3A_467 = arith.constant 0.0826912373 : f32
        %add3A_468 = vector.broadcast %add3A_467 : f32 to vector<16xf32>
        %add3A_469 = arith.addf %add3A_468, %mul3A_466 : vector<16xf32>
        %mul3A_470 = arith.mulf %exp3A_453, %add3A_469 : vector<16xf32>
        %add3A_471 = arith.constant -0.190354332 : f32
        %add3A_472 = vector.broadcast %add3A_471 : f32 to vector<16xf32>
        %add3A_473 = arith.addf %add3A_472, %mul3A_470 : vector<16xf32>
        %mul3A_474 = arith.mulf %exp3A_453, %add3A_473 : vector<16xf32>
        %add3A_475 = arith.constant 0.315747321 : f32
        %add3A_476 = vector.broadcast %add3A_475 : f32 to vector<16xf32>
        %add3A_477 = arith.addf %add3A_476, %mul3A_474 : vector<16xf32>
        %mul3A_478 = arith.mulf %exp3A_453, %add3A_477 : vector<16xf32>
        %add3A_479 = arith.constant -0.497373223 : f32
        %add3A_480 = vector.broadcast %add3A_479 : f32 to vector<16xf32>
        %add3A_481 = arith.addf %add3A_480, %mul3A_478 : vector<16xf32>
        %mul3A_482 = arith.mulf %exp3A_453, %add3A_481 : vector<16xf32>
        %add3A_483 = arith.constant 0.99984771 : f32
        %add3A_484 = vector.broadcast %add3A_483 : f32 to vector<16xf32>
        %add3A_485 = arith.addf %add3A_484, %mul3A_482 : vector<16xf32>
        %mul3A_486 = arith.mulf %exp3A_453, %add3A_485 : vector<16xf32>
        %add3A_487 = arith.constant 1.47206504E-6 : f32
        %add3A_488 = vector.broadcast %add3A_487 : f32 to vector<16xf32>
        %add3A_489 = arith.addf %add3A_488, %mul3A_486 : vector<16xf32>
        %jit3A_490 = arith.constant 0.000000e+00 : f32
        %broadcast_in_dim3A_491 = vector.broadcast %jit3A_490 : f32 to vector<16xf32>
        %select_n3A_492 = arith.select %ne3A_448, %abs3A_449, %broadcast_in_dim3A_491 : vector<16xi1>, vector<16xf32>
        %add3A_493 = arith.addf %select_n3A_492, %add3A_489 : vector<16xf32>
        %jit3A_494 = arith.constant 2.500000e-01 : f32
        %jit3A_495 = arith.constant 7.500000e-01 : f32
        %broadcast_in_dim3A_496 = vector.broadcast %jit3A_494 : f32 to vector<16xf32>
        %broadcast_in_dim3A_497 = vector.broadcast %jit3A_495 : f32 to vector<16xf32>
        %select_n3A_498 = arith.select %gt3A_444, %broadcast_in_dim3A_496, %broadcast_in_dim3A_497 : vector<16xi1>, vector<16xf32>
        %mul3A_499 = arith.mulf %select_n3A_498, %add3A_493 : vector<16xf32>
        %mul3A_500 = arith.mulf %select_n3A_463, %select_n3A_463 : vector<16xf32>
        %mul3A_501 = arith.mulf %mul3A_499, %mul3A_500 : vector<16xf32>
        %add3A_502 = arith.addf %add3A_430, %mul3A_501 : vector<16xf32>
        %add3A_503 = arith.addf %add3A_431, %get3A_441 : vector<16xf32>
        %get3A_504 = arith.constant 6 : i32
        %get3A_505 = arith.index_cast %get3A_504 : i32 to index
        %get3A_506 = arith.index_cast %mul3A_82 : i32 to index
        %get3A_507 = tpu.vector_load %arg8[%get3A_505, %get3A_506] {strides = array<i32>} : memref<8x2048xf32, #tpu.memory_space<vmem>>, vector<1x16xf32>,
        %get3A_508 = vector.shape_cast %get3A_507 : vector<1x16xf32> to vector<16xf32>
        %get3A_509 = arith.constant 6 : i32
        %get3A_510 = arith.index_cast %get3A_509 : i32 to index
        %get3A_511 = arith.index_cast %mul3A_82 : i32 to index
        %get3A_512 = tpu.vector_load %arg9[%get3A_510, %get3A_511] {strides = array<i32>} : memref<8x2048xf32, #tpu.memory_space<vmem>>, vector<1x16xf32>,
        %get3A_513 = vector.shape_cast %get3A_512 : vector<1x16xf32> to vector<16xf32>
        %gt3A_514 = arith.constant 0.000000e+00 : f32
        %gt3A_515 = vector.broadcast %gt3A_514 : f32 to vector<16xf32>
        %gt3A_516 = arith.cmpf ogt, %get3A_513, %gt3A_515 : vector<16xf32>
        %ge3A_517 = arith.constant 0.000000e+00 : f32
        %ge3A_518 = vector.broadcast %ge3A_517 : f32 to vector<16xf32>
        %ge3A_519 = arith.cmpf oge, %get3A_508, %ge3A_518 : vector<16xf32>
        %ne3A_520 = arith.xori %ge3A_519, %gt3A_516 : vector<16xi1>
        %abs3A_521 = math.absf %get3A_508 : vector<16xf32>
        %neg3A_522 = arith.constant 0.000000e+00 : f32
        %neg3A_523 = vector.broadcast %neg3A_522 : f32 to vector<16xf32>
        %neg3A_524 = arith.subf %neg3A_523, %abs3A_521 : vector<16xf32>
        %exp3A_525 = math.exp %neg3A_524 : vector<16xf32>
        %add3A_526 = arith.constant 1.000000e+00 : f32
        %add3A_527 = vector.broadcast %add3A_526 : f32 to vector<16xf32>
        %add3A_528 = arith.addf %add3A_527, %exp3A_525 : vector<16xf32>
        %div3A_529 = arith.constant 1.000000e+00 : f32
        %div3A_530 = vector.broadcast %div3A_529 : f32 to vector<16xf32>
        %div3A_531 = arith.divf %div3A_530, %add3A_528 : vector<16xf32>
        %sub3A_532 = arith.constant 1.000000e+00 : f32
        %sub3A_533 = vector.broadcast %sub3A_532 : f32 to vector<16xf32>
        %sub3A_534 = arith.subf %sub3A_533, %div3A_531 : vector<16xf32>
        %select_n3A_535 = arith.select %ne3A_520, %div3A_531, %sub3A_534 : vector<16xi1>, vector<16xf32>
        %mul3A_536 = arith.constant -0.0174140781 : f32
        %mul3A_537 = vector.broadcast %mul3A_536 : f32 to vector<16xf32>
        %mul3A_538 = arith.mulf %exp3A_525, %mul3A_537 : vector<16xf32>
        %add3A_539 = arith.constant 0.0826912373 : f32
        %add3A_540 = vector.broadcast %add3A_539 : f32 to vector<16xf32>
        %add3A_541 = arith.addf %add3A_540, %mul3A_538 : vector<16xf32>
        %mul3A_542 = arith.mulf %exp3A_525, %add3A_541 : vector<16xf32>
        %add3A_543 = arith.constant -0.190354332 : f32
        %add3A_544 = vector.broadcast %add3A_543 : f32 to vector<16xf32>
        %add3A_545 = arith.addf %add3A_544, %mul3A_542 : vector<16xf32>
        %mul3A_546 = arith.mulf %exp3A_525, %add3A_545 : vector<16xf32>
        %add3A_547 = arith.constant 0.315747321 : f32
        %add3A_548 = vector.broadcast %add3A_547 : f32 to vector<16xf32>
        %add3A_549 = arith.addf %add3A_548, %mul3A_546 : vector<16xf32>
        %mul3A_550 = arith.mulf %exp3A_525, %add3A_549 : vector<16xf32>
        %add3A_551 = arith.constant -0.497373223 : f32
        %add3A_552 = vector.broadcast %add3A_551 : f32 to vector<16xf32>
        %add3A_553 = arith.addf %add3A_552, %mul3A_550 : vector<16xf32>
        %mul3A_554 = arith.mulf %exp3A_525, %add3A_553 : vector<16xf32>
        %add3A_555 = arith.constant 0.99984771 : f32
        %add3A_556 = vector.broadcast %add3A_555 : f32 to vector<16xf32>
        %add3A_557 = arith.addf %add3A_556, %mul3A_554 : vector<16xf32>
        %mul3A_558 = arith.mulf %exp3A_525, %add3A_557 : vector<16xf32>
        %add3A_559 = arith.constant 1.47206504E-6 : f32
        %add3A_560 = vector.broadcast %add3A_559 : f32 to vector<16xf32>
        %add3A_561 = arith.addf %add3A_560, %mul3A_558 : vector<16xf32>
        %jit3A_562 = arith.constant 0.000000e+00 : f32
        %broadcast_in_dim3A_563 = vector.broadcast %jit3A_562 : f32 to vector<16xf32>
        %select_n3A_564 = arith.select %ne3A_520, %abs3A_521, %broadcast_in_dim3A_563 : vector<16xi1>, vector<16xf32>
        %add3A_565 = arith.addf %select_n3A_564, %add3A_561 : vector<16xf32>
        %jit3A_566 = arith.constant 2.500000e-01 : f32
        %jit3A_567 = arith.constant 7.500000e-01 : f32
        %broadcast_in_dim3A_568 = vector.broadcast %jit3A_566 : f32 to vector<16xf32>
        %broadcast_in_dim3A_569 = vector.broadcast %jit3A_567 : f32 to vector<16xf32>
        %select_n3A_570 = arith.select %gt3A_516, %broadcast_in_dim3A_568, %broadcast_in_dim3A_569 : vector<16xi1>, vector<16xf32>
        %mul3A_571 = arith.mulf %select_n3A_570, %add3A_565 : vector<16xf32>
        %mul3A_572 = arith.mulf %select_n3A_535, %select_n3A_535 : vector<16xf32>
        %mul3A_573 = arith.mulf %mul3A_571, %mul3A_572 : vector<16xf32>
        %add3A_574 = arith.addf %add3A_502, %mul3A_573 : vector<16xf32>
        %add3A_575 = arith.addf %add3A_503, %get3A_513 : vector<16xf32>
        %get3A_576 = arith.constant 7 : i32
        %get3A_577 = arith.index_cast %get3A_576 : i32 to index
        %get3A_578 = arith.index_cast %mul3A_82 : i32 to index
        %get3A_579 = tpu.vector_load %arg8[%get3A_577, %get3A_578] {strides = array<i32>} : memref<8x2048xf32, #tpu.memory_space<vmem>>, vector<1x16xf32>,
        %get3A_580 = vector.shape_cast %get3A_579 : vector<1x16xf32> to vector<16xf32>
        %get3A_581 = arith.constant 7 : i32
        %get3A_582 = arith.index_cast %get3A_581 : i32 to index
        %get3A_583 = arith.index_cast %mul3A_82 : i32 to index
        %get3A_584 = tpu.vector_load %arg9[%get3A_582, %get3A_583] {strides = array<i32>} : memref<8x2048xf32, #tpu.memory_space<vmem>>, vector<1x16xf32>,
        %get3A_585 = vector.shape_cast %get3A_584 : vector<1x16xf32> to vector<16xf32>
        %gt3A_586 = arith.constant 0.000000e+00 : f32
        %gt3A_587 = vector.broadcast %gt3A_586 : f32 to vector<16xf32>
        %gt3A_588 = arith.cmpf ogt, %get3A_585, %gt3A_587 : vector<16xf32>
        %ge3A_589 = arith.constant 0.000000e+00 : f32
        %ge3A_590 = vector.broadcast %ge3A_589 : f32 to vector<16xf32>
        %ge3A_591 = arith.cmpf oge, %get3A_580, %ge3A_590 : vector<16xf32>
        %ne3A_592 = arith.xori %ge3A_591, %gt3A_588 : vector<16xi1>
        %abs3A_593 = math.absf %get3A_580 : vector<16xf32>
        %neg3A_594 = arith.constant 0.000000e+00 : f32
        %neg3A_595 = vector.broadcast %neg3A_594 : f32 to vector<16xf32>
        %neg3A_596 = arith.subf %neg3A_595, %abs3A_593 : vector<16xf32>
        %exp3A_597 = math.exp %neg3A_596 : vector<16xf32>
        %add3A_598 = arith.constant 1.000000e+00 : f32
        %add3A_599 = vector.broadcast %add3A_598 : f32 to vector<16xf32>
        %add3A_600 = arith.addf %add3A_599, %exp3A_597 : vector<16xf32>
        %div3A_601 = arith.constant 1.000000e+00 : f32
        %div3A_602 = vector.broadcast %div3A_601 : f32 to vector<16xf32>
        %div3A_603 = arith.divf %div3A_602, %add3A_600 : vector<16xf32>
        %sub3A_604 = arith.constant 1.000000e+00 : f32
        %sub3A_605 = vector.broadcast %sub3A_604 : f32 to vector<16xf32>
        %sub3A_606 = arith.subf %sub3A_605, %div3A_603 : vector<16xf32>
        %select_n3A_607 = arith.select %ne3A_592, %div3A_603, %sub3A_606 : vector<16xi1>, vector<16xf32>
        %mul3A_608 = arith.constant -0.0174140781 : f32
        %mul3A_609 = vector.broadcast %mul3A_608 : f32 to vector<16xf32>
        %mul3A_610 = arith.mulf %exp3A_597, %mul3A_609 : vector<16xf32>
        %add3A_611 = arith.constant 0.0826912373 : f32
        %add3A_612 = vector.broadcast %add3A_611 : f32 to vector<16xf32>
        %add3A_613 = arith.addf %add3A_612, %mul3A_610 : vector<16xf32>
        %mul3A_614 = arith.mulf %exp3A_597, %add3A_613 : vector<16xf32>
        %add3A_615 = arith.constant -0.190354332 : f32
        %add3A_616 = vector.broadcast %add3A_615 : f32 to vector<16xf32>
        %add3A_617 = arith.addf %add3A_616, %mul3A_614 : vector<16xf32>
        %mul3A_618 = arith.mulf %exp3A_597, %add3A_617 : vector<16xf32>
        %add3A_619 = arith.constant 0.315747321 : f32
        %add3A_620 = vector.broadcast %add3A_619 : f32 to vector<16xf32>
        %add3A_621 = arith.addf %add3A_620, %mul3A_618 : vector<16xf32>
        %mul3A_622 = arith.mulf %exp3A_597, %add3A_621 : vector<16xf32>
        %add3A_623 = arith.constant -0.497373223 : f32
        %add3A_624 = vector.broadcast %add3A_623 : f32 to vector<16xf32>
        %add3A_625 = arith.addf %add3A_624, %mul3A_622 : vector<16xf32>
        %mul3A_626 = arith.mulf %exp3A_597, %add3A_625 : vector<16xf32>
        %add3A_627 = arith.constant 0.99984771 : f32
        %add3A_628 = vector.broadcast %add3A_627 : f32 to vector<16xf32>
        %add3A_629 = arith.addf %add3A_628, %mul3A_626 : vector<16xf32>
        %mul3A_630 = arith.mulf %exp3A_597, %add3A_629 : vector<16xf32>
        %add3A_631 = arith.constant 1.47206504E-6 : f32
        %add3A_632 = vector.broadcast %add3A_631 : f32 to vector<16xf32>
        %add3A_633 = arith.addf %add3A_632, %mul3A_630 : vector<16xf32>
        %jit3A_634 = arith.constant 0.000000e+00 : f32
        %broadcast_in_dim3A_635 = vector.broadcast %jit3A_634 : f32 to vector<16xf32>
        %select_n3A_636 = arith.select %ne3A_592, %abs3A_593, %broadcast_in_dim3A_635 : vector<16xi1>, vector<16xf32>
        %add3A_637 = arith.addf %select_n3A_636, %add3A_633 : vector<16xf32>
        %jit3A_638 = arith.constant 2.500000e-01 : f32
        %jit3A_639 = arith.constant 7.500000e-01 : f32
        %broadcast_in_dim3A_640 = vector.broadcast %jit3A_638 : f32 to vector<16xf32>
        %broadcast_in_dim3A_641 = vector.broadcast %jit3A_639 : f32 to vector<16xf32>
        %select_n3A_642 = arith.select %gt3A_588, %broadcast_in_dim3A_640, %broadcast_in_dim3A_641 : vector<16xi1>, vector<16xf32>
        %mul3A_643 = arith.mulf %select_n3A_642, %add3A_637 : vector<16xf32>
        %mul3A_644 = arith.mulf %select_n3A_607, %select_n3A_607 : vector<16xf32>
        %mul3A_645 = arith.mulf %mul3A_643, %mul3A_644 : vector<16xf32>
        %add3A_646 = arith.addf %add3A_574, %mul3A_645 : vector<16xf32>
        %add3A_647 = arith.addf %add3A_575, %get3A_585 : vector<16xf32>
        scf.yield %add3A_646, %add3A_647 : vector<16xf32>, vector<16xf32>
      }
      %scan3A_70 = arith.constant 128 : i32
      %add3A_71 = arith.constant 3 : i32
      %add3A_72 = arith.addi %mul3A_39, %add3A_71 : i32
      %lt3A_73 = arith.constant 8 : i32
      %lt3A_74 = arith.cmpi slt, %add3A_72, %lt3A_73 : i32
      %convert_element_type3A_75 = arith.extui %lt3A_74 : i1 to i32
      %cond3A_76 = arith.constant 0 : i32
      %cond3A_77 = arith.cmpi ne, %convert_element_type3A_75, %cond3A_76 : i32
      scf.if %cond3A_77 {
        %add3A_78 = arith.constant 3 : i32
        %add3A_79 = arith.addi %mul3A_39, %add3A_78 : i32
        %mul3A_80 = arith.constant 2048 : i32
        %mul3A_81 = arith.muli %add3A_79, %mul3A_80 : i32
        %dma_start3A_82 = tpu.memref_slice %arg2[%mul3A_2, %mul3A_81] : memref<1024x16384xf32, #tpu.memory_space<hbm>> -> memref<8x2048xf32, #tpu.memory_space<hbm>>
        %dma_start3A_83 = tpu.memref_slice %arg2[%mul3A_2, %mul3A_81] : memref<1024x16384xf32, #tpu.memory_space<hbm>> -> memref<8x2048xf32, #tpu.memory_space<hbm>>
        tpu.enqueue_dma source(%dma_start3A_83 : memref<8x2048xf32, #tpu.memory_space<hbm>>) target(%arg8 : memref<8x2048xf32, #tpu.memory_space<vmem>>) target_semaphore(%arg12 : memref<!tpu.dma_semaphore, #tpu.memory_space<semaphore_mem>>)
        %dma_start3A_84 = tpu.memref_slice %arg3[%mul3A_2, %mul3A_81] : memref<1024x16384xf32, #tpu.memory_space<hbm>> -> memref<8x2048xf32, #tpu.memory_space<hbm>>
        %dma_start3A_85 = tpu.memref_slice %arg3[%mul3A_2, %mul3A_81] : memref<1024x16384xf32, #tpu.memory_space<hbm>> -> memref<8x2048xf32, #tpu.memory_space<hbm>>
        tpu.enqueue_dma source(%dma_start3A_85 : memref<8x2048xf32, #tpu.memory_space<hbm>>) target(%arg9 : memref<8x2048xf32, #tpu.memory_space<vmem>>) target_semaphore(%arg12 : memref<!tpu.dma_semaphore, #tpu.memory_space<semaphore_mem>>)
      } else {
      }
      scf.yield %scan3A_69#0, %scan3A_69#1 : vector<16xf32>, vector<16xf32>
    }
    %scan3A_23 = arith.constant 4 : i32
    %swap3A = arith.constant 0 : index
    %swap3A_24 = tpu.vector_load %arg10[%swap3A] {strides = array<i32>} : memref<32xf32, #tpu.memory_space<vmem>>, vector<16xf32>,
    %swap3A_25 = vector.shape_cast %swap3A_24 : vector<16xf32> to vector<16xf32>
    %swap3A_26 = vector.shape_cast %scan3A_22#0 : vector<16xf32> to vector<16xf32>
    tpu.vector_store %arg10[%swap3A], %swap3A_26 {strides = array<i32>} : memref<32xf32, #tpu.memory_space<vmem>>, vector<16xf32>,
    %swap3A_27 = arith.constant 16 : index
    %swap3A_28 = tpu.vector_load %arg10[%swap3A_27] {strides = array<i32>} : memref<32xf32, #tpu.memory_space<vmem>>, vector<16xf32>,
    %swap3A_29 = vector.shape_cast %swap3A_28 : vector<16xf32> to vector<16xf32>
    %swap3A_30 = vector.shape_cast %scan3A_22#1 : vector<16xf32> to vector<16xf32>
    tpu.vector_store %arg10[%swap3A_27], %swap3A_30 {strides = array<i32>} : memref<32xf32, #tpu.memory_space<vmem>>, vector<16xf32>,
    %mul3A_31 = arith.constant 16 : i32
    %mul3A_32 = arith.muli %add3A, %mul3A_31 : i32
    "tpu.region"() ({
      %run_scoped3A = tpu.sem_alloc : memref<!tpu.dma_semaphore, #tpu.memory_space<semaphore_mem>>
      %dma_start3A_35 = arith.constant 0 : i32
      %dma_start3A_36 = tpu.memref_slice %arg10[%dma_start3A_35] : memref<32xf32, #tpu.memory_space<vmem>> -> memref<16xf32, #tpu.memory_space<vmem>>
      %dma_start3A_37 = tpu.memref_slice %arg4[%mul3A_32] : memref<512xf32, #tpu.memory_space<hbm>> -> memref<16xf32, #tpu.memory_space<hbm>>
      %dma_start3A_38 = tpu.memref_slice %arg4[%mul3A_32] : memref<512xf32, #tpu.memory_space<hbm>> -> memref<16xf32, #tpu.memory_space<hbm>>
      %dma_start3A_39 = arith.constant 0 : i32
      %dma_start3A_40 = tpu.memref_slice %arg10[%dma_start3A_39] : memref<32xf32, #tpu.memory_space<vmem>> -> memref<16xf32, #tpu.memory_space<vmem>>
      tpu.enqueue_dma source(%dma_start3A_40 : memref<16xf32, #tpu.memory_space<vmem>>) target(%dma_start3A_38 : memref<16xf32, #tpu.memory_space<hbm>>) target_semaphore(%run_scoped3A : memref<!tpu.dma_semaphore, #tpu.memory_space<semaphore_mem>>)
      %dma_wait3A = arith.constant 0 : i32
      %dma_wait3A_41 = tpu.memref_slice %arg10[%dma_wait3A] : memref<32xf32, #tpu.memory_space<vmem>> -> memref<16xf32, #tpu.memory_space<vmem>>
      %dma_wait3A_42 = tpu.memref_slice %arg4[%mul3A_32] : memref<512xf32, #tpu.memory_space<hbm>> -> memref<16xf32, #tpu.memory_space<hbm>>
      %dma_wait3A_43 = tpu.memref_slice %arg4[%mul3A_32] : memref<512xf32, #tpu.memory_space<hbm>> -> memref<16xf32, #tpu.memory_space<hbm>>
      %dma_wait3A_44 = arith.constant 0 : i32
      %dma_wait3A_45 = tpu.memref_slice %arg10[%dma_wait3A_44] : memref<32xf32, #tpu.memory_space<vmem>> -> memref<16xf32, #tpu.memory_space<vmem>>
      tpu.wait_dma2 semaphore(%run_scoped3A : memref<!tpu.dma_semaphore, #tpu.memory_space<semaphore_mem>>) src(%dma_wait3A_45 : memref<16xf32, #tpu.memory_space<vmem>>) dst(%dma_wait3A_43 : memref<16xf32, #tpu.memory_space<hbm>>)
      tpu.yield
    }) : () -> ()
    %mul3A_33 = arith.constant 16 : i32
    %mul3A_34 = arith.muli %add3A, %mul3A_33 : i32
    "tpu.region"() ({
      %run_scoped3A = tpu.sem_alloc : memref<!tpu.dma_semaphore, #tpu.memory_space<semaphore_mem>>
      %dma_start3A_35 = arith.constant 16 : i32
      %dma_start3A_36 = tpu.memref_slice %arg10[%dma_start3A_35] : memref<32xf32, #tpu.memory_space<vmem>> -> memref<16xf32, #tpu.memory_space<vmem>>
      %dma_start3A_37 = tpu.memref_slice %arg5[%mul3A_34] : memref<512xf32, #tpu.memory_space<hbm>> -> memref<16xf32, #tpu.memory_space<hbm>>
      %dma_start3A_38 = tpu.memref_slice %arg5[%mul3A_34] : memref<512xf32, #tpu.memory_space<hbm>> -> memref<16xf32, #tpu.memory_space<hbm>>
      %dma_start3A_39 = arith.constant 16 : i32
      %dma_start3A_40 = tpu.memref_slice %arg10[%dma_start3A_39] : memref<32xf32, #tpu.memory_space<vmem>> -> memref<16xf32, #tpu.memory_space<vmem>>
      tpu.enqueue_dma source(%dma_start3A_40 : memref<16xf32, #tpu.memory_space<vmem>>) target(%dma_start3A_38 : memref<16xf32, #tpu.memory_space<hbm>>) target_semaphore(%run_scoped3A : memref<!tpu.dma_semaphore, #tpu.memory_space<semaphore_mem>>)
      %dma_wait3A = arith.constant 16 : i32
      %dma_wait3A_41 = tpu.memref_slice %arg10[%dma_wait3A] : memref<32xf32, #tpu.memory_space<vmem>> -> memref<16xf32, #tpu.memory_space<vmem>>
      %dma_wait3A_42 = tpu.memref_slice %arg5[%mul3A_34] : memref<512xf32, #tpu.memory_space<hbm>> -> memref<16xf32, #tpu.memory_space<hbm>>
      %dma_wait3A_43 = tpu.memref_slice %arg5[%mul3A_34] : memref<512xf32, #tpu.memory_space<hbm>> -> memref<16xf32, #tpu.memory_space<hbm>>
      %dma_wait3A_44 = arith.constant 16 : i32
      %dma_wait3A_45 = tpu.memref_slice %arg10[%dma_wait3A_44] : memref<32xf32, #tpu.memory_space<vmem>> -> memref<16xf32, #tpu.memory_space<vmem>>
      tpu.wait_dma2 semaphore(%run_scoped3A : memref<!tpu.dma_semaphore, #tpu.memory_space<semaphore_mem>>) src(%dma_wait3A_45 : memref<16xf32, #tpu.memory_space<vmem>>) dst(%dma_wait3A_43 : memref<16xf32, #tpu.memory_space<hbm>>)
      tpu.yield
    }) : () -> ()
    return
  }
}

module attributes {stable_mosaic.version = 14 : i64} {
  func.func @_tc_body(%arg0: i32, %arg1: memref<64x16384xf32, #tpu.memory_space<vmem>>, %arg2: memref<64x16384xf32, #tpu.memory_space<vmem>>, %arg3: memref<2xf32, #tpu.memory_space<smem>>, %arg4: memref<2xf32, #tpu.memory_space<smem>>) attributes {dimension_semantics = [#tpu.dimension_semantics<arbitrary>], iteration_bounds = array<i64: 12>, scalar_prefetch = 0 : i64, scratch_operands = 1 : i64, tpu.core_type = #tpu.core_type<tc>, window_params = [{transform_indices = @transform_0, window_bounds = array<i64: 64, 16384>}, {transform_indices = @transform_1, window_bounds = array<i64: 64, 16384>}, {transform_indices = @transform_2, window_bounds = array<i64: 2>}]} {
    %eq3A = arith.constant 0 : i32
    %eq3A_0 = arith.cmpi eq, %arg0, %eq3A : i32
    %convert_element_type3A = arith.extui %eq3A_0 : i1 to i32
    %cond3A = arith.constant 0 : i32
    %cond3A_1 = arith.cmpi ne, %convert_element_type3A, %cond3A : i32
    scf.if %cond3A_1 {
      %swap3A_58 = arith.constant 0.000000e+00 : f32
      %swap3A_59 = arith.constant 0 : index
      %swap3A_60 = memref.load %arg4[%swap3A_59] : memref<2xf32, #tpu.memory_space<smem>>
      memref.store %swap3A_58, %arg4[%swap3A_59] : memref<2xf32, #tpu.memory_space<smem>>
      %swap3A_61 = arith.constant 0.000000e+00 : f32
      %swap3A_62 = arith.constant 1 : index
      %swap3A_63 = memref.load %arg4[%swap3A_62] : memref<2xf32, #tpu.memory_space<smem>>
      memref.store %swap3A_61, %arg4[%swap3A_62] : memref<2xf32, #tpu.memory_space<smem>>
    } else {
    }
    %get3A = arith.constant 0 : index
    %get3A_2 = arith.constant 0 : index
    %get3A_3 = vector.load %arg1[%get3A, %get3A_2] : memref<64x16384xf32, #tpu.memory_space<vmem>>, vector<64x16384xf32>
    %get3A_4 = arith.constant 0 : index
    %get3A_5 = arith.constant 0 : index
    %get3A_6 = vector.load %arg2[%get3A_4, %get3A_5] : memref<64x16384xf32, #tpu.memory_space<vmem>>, vector<64x16384xf32>
    %mul3A = arith.constant 2.000000e+00 : f32
    %mul3A_7 = vector.broadcast %mul3A : f32 to vector<64x16384xf32>
    %mul3A_8 = arith.mulf %mul3A_7, %get3A_6 : vector<64x16384xf32>
    %sub3A = arith.constant 1.000000e+00 : f32
    %sub3A_9 = vector.broadcast %sub3A : f32 to vector<64x16384xf32>
    %sub3A_10 = arith.subf %sub3A_9, %mul3A_8 : vector<64x16384xf32>
    %mul3A_11 = arith.mulf %get3A_3, %sub3A_10 : vector<64x16384xf32>
    %mul3A_12 = arith.constant 5.000000e-01 : f32
    %mul3A_13 = vector.broadcast %mul3A_12 : f32 to vector<64x16384xf32>
    %mul3A_14 = arith.mulf %mul3A_13, %get3A_6 : vector<64x16384xf32>
    %sub3A_15 = arith.constant 7.500000e-01 : f32
    %sub3A_16 = vector.broadcast %sub3A_15 : f32 to vector<64x16384xf32>
    %sub3A_17 = arith.subf %sub3A_16, %mul3A_14 : vector<64x16384xf32>
    %abs3A = math.absf %mul3A_11 : vector<64x16384xf32>
    %neg3A = arith.constant 0.000000e+00 : f32
    %neg3A_18 = vector.broadcast %neg3A : f32 to vector<64x16384xf32>
    %neg3A_19 = arith.subf %neg3A_18, %abs3A : vector<64x16384xf32>
    %exp3A = math.exp %neg3A_19 : vector<64x16384xf32>
    %add3A = arith.constant 1.000000e+00 : f32
    %add3A_20 = vector.broadcast %add3A : f32 to vector<64x16384xf32>
    %add3A_21 = arith.addf %add3A_20, %exp3A : vector<64x16384xf32>
    %div3A = arith.constant 1.000000e+00 : f32
    %div3A_22 = vector.broadcast %div3A : f32 to vector<64x16384xf32>
    %div3A_23 = arith.divf %div3A_22, %add3A_21 : vector<64x16384xf32>
    %ge3A = arith.constant 0.000000e+00 : f32
    %ge3A_24 = vector.broadcast %ge3A : f32 to vector<64x16384xf32>
    %ge3A_25 = arith.cmpf oge, %mul3A_11, %ge3A_24 : vector<64x16384xf32>
    %sub3A_26 = arith.constant 1.000000e+00 : f32
    %sub3A_27 = vector.broadcast %sub3A_26 : f32 to vector<64x16384xf32>
    %sub3A_28 = arith.subf %sub3A_27, %div3A_23 : vector<64x16384xf32>
    %select_n3A = arith.select %ge3A_25, %div3A_23, %sub3A_28 : vector<64x16384xi1>, vector<64x16384xf32>
    %max3A = arith.constant 0.000000e+00 : f32
    %max3A_29 = vector.broadcast %max3A : f32 to vector<64x16384xf32>
    %max3A_30 = arith.maximumf %mul3A_11, %max3A_29 : vector<64x16384xf32>
    %log3A = math.log %add3A_21 : vector<64x16384xf32>
    %add3A_31 = arith.addf %max3A_30, %log3A : vector<64x16384xf32>
    %get3A_32 = arith.constant 0 : index
    %get3A_33 = memref.load %arg4[%get3A_32] : memref<2xf32, #tpu.memory_space<smem>>
    %mul3A_34 = arith.mulf %select_n3A, %select_n3A : vector<64x16384xf32>
    %mul3A_35 = arith.mulf %sub3A_17, %mul3A_34 : vector<64x16384xf32>
    %mul3A_36 = arith.mulf %mul3A_35, %add3A_31 : vector<64x16384xf32>
    %reduce_sum3A = vector.shape_cast %mul3A_36 : vector<64x16384xf32> to vector<1x64x16384xf32>
    %reduce_sum3A_37 = arith.constant dense<0.000000e+00> : vector<1xf32>
    %reduce_sum3A_38 = vector.multi_reduction <add>, %reduce_sum3A, %reduce_sum3A_37 [1, 2] : vector<1x64x16384xf32> to vector<1xf32>
    %reduce_sum3A_39 = vector.shape_cast %reduce_sum3A_38 : vector<1xf32> to vector<1x1x1xf32>
    %reduce_sum3A_40 = vector.extract %reduce_sum3A_39[0, 0, 0] : f32 from vector<1x1x1xf32>
    %add3A_41 = arith.addf %get3A_33, %reduce_sum3A_40 : f32
    %swap3A = arith.constant 0 : index
    %swap3A_42 = memref.load %arg4[%swap3A] : memref<2xf32, #tpu.memory_space<smem>>
    memref.store %add3A_41, %arg4[%swap3A] : memref<2xf32, #tpu.memory_space<smem>>
    %get3A_43 = arith.constant 1 : index
    %get3A_44 = memref.load %arg4[%get3A_43] : memref<2xf32, #tpu.memory_space<smem>>
    %reduce_sum3A_45 = vector.shape_cast %get3A_6 : vector<64x16384xf32> to vector<1x64x16384xf32>
    %reduce_sum3A_46 = arith.constant dense<0.000000e+00> : vector<1xf32>
    %reduce_sum3A_47 = vector.multi_reduction <add>, %reduce_sum3A_45, %reduce_sum3A_46 [1, 2] : vector<1x64x16384xf32> to vector<1xf32>
    %reduce_sum3A_48 = vector.shape_cast %reduce_sum3A_47 : vector<1xf32> to vector<1x1x1xf32>
    %reduce_sum3A_49 = vector.extract %reduce_sum3A_48[0, 0, 0] : f32 from vector<1x1x1xf32>
    %add3A_50 = arith.addf %get3A_44, %reduce_sum3A_49 : f32
    %swap3A_51 = arith.constant 1 : index
    %swap3A_52 = memref.load %arg4[%swap3A_51] : memref<2xf32, #tpu.memory_space<smem>>
    memref.store %add3A_50, %arg4[%swap3A_51] : memref<2xf32, #tpu.memory_space<smem>>
    %eq3A_53 = arith.constant 11 : i32
    %eq3A_54 = arith.cmpi eq, %arg0, %eq3A_53 : i32
    %convert_element_type3A_55 = arith.extui %eq3A_54 : i1 to i32
    %cond3A_56 = arith.constant 0 : i32
    %cond3A_57 = arith.cmpi ne, %convert_element_type3A_55, %cond3A_56 : i32
    scf.if %cond3A_57 {
      %get3A_58 = arith.constant 0 : index
      %get3A_59 = memref.load %arg4[%get3A_58] : memref<2xf32, #tpu.memory_space<smem>>
      %swap3A_60 = arith.constant 0 : index
      %swap3A_61 = memref.load %arg3[%swap3A_60] : memref<2xf32, #tpu.memory_space<smem>>
      memref.store %get3A_59, %arg3[%swap3A_60] : memref<2xf32, #tpu.memory_space<smem>>
      %get3A_62 = arith.constant 1 : index
      %get3A_63 = memref.load %arg4[%get3A_62] : memref<2xf32, #tpu.memory_space<smem>>
      %swap3A_64 = arith.constant 1 : index
      %swap3A_65 = memref.load %arg3[%swap3A_64] : memref<2xf32, #tpu.memory_space<smem>>
      memref.store %get3A_63, %arg3[%swap3A_64] : memref<2xf32, #tpu.memory_space<smem>>
    } else {
    }
    return
  }
  func.func @transform_0(%arg0: i32) -> (i32, i32) {
    %add3A = arith.constant 4 : i32
    %add3A_0 = arith.addi %arg0, %add3A : i32
    %c0_i32 = arith.constant 0 : i32
    %c0_i32_1 = arith.constant 0 : i32
    return %add3A_0, %c0_i32 : i32, i32
  }
  func.func @transform_1(%arg0: i32) -> (i32, i32) {
    %add3A = arith.constant 4 : i32
    %add3A_0 = arith.addi %arg0, %add3A : i32
    %c0_i32 = arith.constant 0 : i32
    %c0_i32_1 = arith.constant 0 : i32
    return %add3A_0, %c0_i32 : i32, i32
  }
  func.func @transform_2(%arg0: i32) -> i32 {
    %c0_i32 = arith.constant 0 : i32
    %c0_i32_0 = arith.constant 0 : i32
    return %c0_i32 : i32
  }
}

</mosaic_0001>

<sc_bundles>
// kernel: kernel.4.cloned.1.call-start
scs
__scs_entry_jumppad:
0x0: {  	(pc) =	sbr.rel $0x88, $3  }
0x1: {  	(tag) =	ssettag $0x0;
	lr =	simm.s32 $0x1  }
0x2: {  	[smem:$0x3F9F] =	sst lr;
	_ =	strace $0xD0000000  }
0x3: {  	_ = 	snop  }
0x4: {  	_ = 	snop  }
0x5: {  	_ = 	snop  }
0x6: {  	_ = 	snop  }
0x7: {  	_ = 	snop  }
__scs_overlays_trampoline_lowered:
0x8: {  	[smem:$0x3FAE] =	sst s0  }
0x9: {  	[smem:$0x3FAF] =	sst s1  }
0xa: {  	[smem:$0x3FB0] =	sst s2  }
0xb: {  	[smem:$0x3FB1] =	sst s3  }
0xc: {  	[smem:$0x3FB2] =	sst s4  }
0xd: {  	[smem:$0x3FB3] =	sst s5  }
0xe: {  	[smem:$0x3FB4] =	sst s6  }
0xf: {  	[smem:$0x3FB5] =	sst s7  }
0x10: {  	[smem:$0x3FB6] =	sst s8  }
0x11: {  	[smem:$0x3FB7] =	sst s9;
	s0 =	simm.s32 @!p0 $0x0  }
0x12: {  	s1 =	sld [smem:$0x3F9D];
	s0 =	simm.s32 @p0 $0x1  }
0x13: {  	[smem:$0x3FB8] =	sst s0;
	s0 =	simm.s32 @!p1 $0x0  }
0x14: {  	s2 =	sld [smem:$0x3F9C];
	s0 =	simm.s32 @p1 $0x1  }
0x15: {  	[smem:$0x3FB9] =	sst s0;
	s0 =	simm.s32 @!p2 $0x0  }
0x16: {  	s3 =	sld [smem:$0x3FDB];
	s0 =	simm.s32 @p2 $0x1  }
0x17: {  	s4 =	simm.s32 $0x1BF5;
	[smem:$0x3FBB] =	sst s0  }
0x18: {  	s0 =	sld [smem:$0x3F9E];
	_ =	swait.ge [sflag:s4], $0x0  }
0x19: {  	s7 =	sld [smem:$0x3F9F]  }
0x1a: {  	s8 =	sadd.s32 $0xFFFFE003, lr  }
0x1b: {  	s9 =	sadd.s32 $0xFFFFFEF7, lr;
	s5 =	simm.s32 $0xFFFFFFFF;
	p2 =	slt.u32 s8, $0xFFFFF086  }
0x1c: {  	p1 =	slt.u32 s9, $0xF7A;
	s5 =	simm.s32 @!p2 $0x0  }
0x1d: {  	s5 =	simm.s32 @p1 $0x1;
	p0 =	seq.s32 s7, s2  }
0x1e: {  	s7 =	smul.u32 @!p0 $0xF7A, s2;
	p2 =	seq.s32 @!p0 s5, $0x0  }
0x1f: {  	s9 =	smul.u32 $0xF7A, s1;
	s8 =	simm.s32 @!p0 $0x1BF5;
	p2 =	por !p2, p0  }
0x20: {  	[sflag:s8] =	ssyncset.s32 @!p0 $0xFFFFF086;
	s6 =	sadd.s32 @!p0 s3, s7;
	s7 =	simm.s32 @!p0 $0x108  }
0x21: {  	s3 =	sadd.s32 s3, s9;
	s6 =	sadd.s32 @!p0 $0x88, s6;
	s7 =	simm.s32 @p2 $0x1082  }
0x22: {  	[simem:s7], [sflag:s8] =	dma.local @!p0 [hbm:s6], $0xF7A  }
0x23: {  	s9 =	sor.u32 $0xD0000000, s2;
	s6 =	simm.s32 $0x108;
	_ =	swait.ge @!p0 [sflag:s8], $0x0  }
0x24: {  	s3 =	sadd.s32 $0x88, s3;
	s6 =	simm.s32 @!p1 $0x1082;
	[sflag:s4] =	ssyncset.s32 $0xFFFFF086  }
0x25: {  	[simem:s6], [sflag:s4] =	dma.local [hbm:s3], $0xF7A  }
0x26: {  	[smem:$0x3F9F] =	sst s1;
	(tag) =	ssettag s2;
	_ =	strace s9  }
0x27: {  	s1 =	sld [smem:$0x3FAF]  }
0x28: {  	s2 =	sld [smem:$0x3FB0]  }
0x29: {  	s4 =	sld [smem:$0x3FB2]  }
0x2a: {  	p0 =	seq.s32 s5, $0x0;
	s5 =	sld [smem:$0x3FB3]  }
0x2b: {  	s6 =	sld [smem:$0x3FB4]  }
0x2c: {  	s7 =	sld [smem:$0x3FB5]  }
0x2d: {  	s3 =	simm.s32 $0x108;
	s8 =	sld [smem:$0x3FB6]  }
0x2e: {  	s3 =	simm.s32 @!p0 $0x1082;
	s9 =	sld [smem:$0x3FB7]  }
0x2f: {  	lr =	sadd.s32 s0, s3;
	s0 =	sld [smem:$0x3FAE]  }
0x30: {  	s3 =	sld [smem:$0x3FB1]  }
0x31: {  	[smem:$0x3FBA] =	sst s10  }
0x32: {  	s10 =	sld [smem:$0x3FB8];
	_ =	sdelay $0x3  }
0x33: {  	p0 =	seq.s32 s10, $0x1;
	s10 =	sld [smem:$0x3FBA];
	_ =	sdelay $0x3  }
0x34: {  	[smem:$0x3FBA] =	sst s10  }
0x35: {  	s10 =	sld [smem:$0x3FB9];
	_ =	sdelay $0x3  }
0x36: {  	p1 =	seq.s32 s10, $0x1;
	s10 =	sld [smem:$0x3FBA];
	_ =	sdelay $0x3  }
0x37: {  	[smem:$0x3FBA] =	sst s10  }
0x38: {  	s10 =	sld [smem:$0x3FBB]  }
0x39: {  	_ = 	snop;
	(pc) =	sbr.ind lr, $3  }
0x3a: {  	_ = 	snop  }
0x3b: {  	_ = 	snop  }
0x3c: {  	p2 =	seq.s32 s10, $0x1;
	s10 =	sld [smem:$0x3FBA]  }
0x3d: {  	_ =	shalt  }
0x3e: {  	_ =	shalt  }
0x3f: {  	_ =	shalt  }
0x40: {  	_ =	shalt  }
0x41: {  	_ =	shalt  }
0x42: {  	_ =	shalt  }
0x43: {  	_ =	shalt  }
0x44: {  	_ =	shalt  }
0x45: {  	_ =	shalt  }
0x46: {  	_ =	shalt  }
0x47: {  	_ =	shalt  }
0x48: {  	_ =	shalt  }
0x49: {  	_ =	shalt  }
0x4a: {  	_ =	shalt  }
0x4b: {  	_ =	shalt  }
0x4c: {  	_ =	shalt  }
0x4d: {  	_ =	shalt  }
0x4e: {  	_ =	shalt  }
0x4f: {  	_ =	shalt  }
0x50: {  	_ =	shalt  }
0x51: {  	_ =	shalt  }
0x52: {  	_ =	shalt  }
0x53: {  	_ =	shalt  }
0x54: {  	_ =	shalt  }
0x55: {  	_ =	shalt  }
0x56: {  	_ =	shalt  }
0x57: {  	_ =	shalt  }
0x58: {  	_ =	shalt  }
0x59: {  	_ =	shalt  }
0x5a: {  	_ =	shalt  }
0x5b: {  	_ =	shalt  }
0x5c: {  	_ =	shalt  }
0x5d: {  	_ =	shalt  }
0x5e: {  	_ =	shalt  }
0x5f: {  	_ =	shalt  }
0x60: {  	_ =	shalt  }
0x61: {  	_ =	shalt  }
0x62: {  	_ =	shalt  }
0x63: {  	_ =	shalt  }
0x64: {  	_ =	shalt  }
0x65: {  	_ =	shalt  }
0x66: {  	_ =	shalt  }
0x67: {  	_ =	shalt  }
0x68: {  	_ =	shalt  }
0x69: {  	_ =	shalt  }
0x6a: {  	_ =	shalt  }
0x6b: {  	_ =	shalt  }
0x6c: {  	_ =	shalt  }
0x6d: {  	_ =	shalt  }
0x6e: {  	_ =	shalt  }
0x6f: {  	_ =	shalt  }
0x70: {  	_ =	shalt  }
0x71: {  	_ =	shalt  }
0x72: {  	_ =	shalt  }
0x73: {  	_ =	shalt  }
0x74: {  	_ =	shalt  }
0x75: {  	_ =	shalt  }
0x76: {  	_ =	shalt  }
0x77: {  	_ =	shalt  }
0x78: {  	_ =	shalt  }
0x79: {  	_ =	shalt  }
0x7a: {  	_ =	shalt  }
0x7b: {  	_ =	shalt  }
0x7c: {  	_ =	shalt  }
0x7d: {  	_ =	shalt  }
0x7e: {  	_ =	shalt  }
0x7f: {  	_ =	shalt  }
0x80: {  	_ =	shalt  }
0x81: {  	_ =	shalt  }
0x82: {  	_ =	shalt  }
0x83: {  	_ =	shalt  }
0x84: {  	_ =	shalt  }
0x85: {  	_ =	shalt  }
0x86: {  	_ =	shalt  }
0x87: {  	_ =	shalt  }
.Lfunc_end0:
.L_simem_size_0:
called_computation_lowered:
.L_overlay_start_0:
0x88: {  	s2 =	sld [smem:$0x3FD9]  }
0x89: {  	s3 =	sld [smem:$0x3FFE];
	_ =	sdelay $0x1  }
0x8a: {  	s1 =	srdreg.scid  }
0x8b: {  	s0 =	sand.u32 $0x1, s1  }
0x8c: {  	s17 =	sshll.u32 s0, $0xA;
	s2 =	sadd.s32 s3, s2  }
0x8d: {  	s2 =	sadd.s32 s2, s17  }
0x8e: {  	[smem:$0x3FC6] =	sst s2  }
0x8f: {  	_ = 	snop  }
0x90: {  	s2 =	sld [smem:$0x3FC9]  }
0x91: {  	s18 =	sld [smem:$0x3FC8];
	(tm) =	ssettm $0x1  }
0x92: {  	s4 =	sld [smem:$0x3FFB];
	_ =	sdelay $0x3  }
0x93: {  	_ =	strace s4  }
0x94: {  	s4 =	sld [smem:$0x3FFC];
	_ =	sdelay $0x3  }
0x95: {  	_ =	strace s4  }
0x96: {  	s4 =	sld [smem:$0x3FFD];
	_ =	sdelay $0x3  }
0x97: {  	_ =	strace s4  }
0x98: {  	_ =	strace $0x8FFFFFFF  }
0x99: {  	s19 =	sld [smem:$0x3FDB];
	_ =	sdelay $0x1  }
0x9a: {  	s5 =	simm.s32 $_scs_section_size  }
0x9b: {  	s6 =	simm.s32 $_size__tile_overlayer_lowered;
	s7 =	simm.s32 $_tile_overlayer_lowered  }
0x9c: {  	s22 =	simm.s32 $0x1BFF;
	s21 =	sshll.u32 s7, $0x1;
	s4 =	sadd.s32 s5, s19  }
0x9d: {  	s8 =	simm.s32 $0x0;
	s20 =	sshll.u32 s6, $0x1;
	s6 =	sadd.s32 s21, s4  }
0x9e: {  	[timem:s8], [sflag:s22] =	dma.local [hbm:s6], s20  }
0x9f: {  	_ =	swait.ge [sflag:s22], s20  }
0xa0: {  	s5 =	ssub.s32 $0x0, s20;
	[sflag:s22] =	ssyncset.done $0x0  }
0xa1: {  	[sflag:s22] =	ssyncadd.s32 s5;
	_ =	sdelay $0x1  }
0xa2: {  	s23 =	simm.s32 $0x1B8B  }
0xa3: {  	_ =	swait.ge [sflag:s23], $0x1  }
0xa4: {  	[sflag:s23] =	ssyncset.done $0x0  }
0xa5: {  	s25 =	simm.s32 $0x1B8E;
	s24 =	sld [smem:$0x3FFE];
	[sflag:s23] =	ssyncadd.s32 $0xFFFFFFFF  }
0xa6: {  	s26 =	simm.s32 $execute0_lowered;
	[smem:$0x3FD2] =	sst s25  }
0xa7: {  	s6 =	sshll.u32 s26, $0x1;
	_ =	strace $0x80000046;
	[dreg:$0x1] =	wrdreg $0xFFFFFFFF  }
0xa8: {  	s28 =	simm.s32 $_size_execute0_lowered;
	s4 =	sadd.s32 s4, s6;
	[dreg:$0x0] =	wrdreg $0x0  }
0xa9: {  	s6 =	sshll.u32 s28, $0x1;
	[dreg:$0x2] =	wrdreg s4  }
0xaa: {  	[dreg:$0x3] =	wrdreg s6  }
0xab: {  	[dreg:$0x4] =	wrdreg $0xC0  }
0xac: {  	_ =	task [dreg:s8], $0x5FFFF  }
0xad: {  	[dreg:$0x1] =	wrdreg $0xFFFFFFFF  }
0xae: {  	[dreg:$0x0] =	wrdreg $0x60  }
0xaf: {  	[dreg:$0x2] =	wrdreg s2  }
0xb0: {  	[dreg:$0x3] =	wrdreg s18  }
0xb1: {  	[dreg:$0x4] =	wrdreg s24  }
0xb2: {  	[dreg:$0x5] =	wrdreg $0x9  }
0xb3: {  	_ =	task.clear_ibuf [dreg:s8], $0x6FFFF;
	_ =	strace $0x90000046  }
0xb4: {  	s29 =	simm.s32 $0x9;
	_ =	strace $0x80000048  }
0xb5: {  	_ =	swait.ge [sflag:s29], $0x1  }
0xb6: {  	[sflag:s29] =	ssyncadd.s32 $0xFFFFFFFF  }
0xb7: {  	_ =	strace $0x90000048  }
0xb8: {  	_ =	sfence  }
0xb9: {  	s30 =	sld [smem:$0x0];
	_ =	sdelay $0x2  }
0xba: {  	s31 =	sshll.u32 s1, $0xD;
	s1 =	sshrl.u32 s1, $0x2  }
0xbb: {  	s3 =	sand.u32 $0x4000, s31;
	s1 =	sadd.s32 s1, s30  }
0xbc: {  	s0 =	sor.u32 s3, s0;
	s1 =	sshll.u32 s1, $0x11  }
0xbd: {  	s0 =	sor.u32 s1, s0  }
0xbe: {  	s0 =	sadd.s32 $0x8F2B, s0  }
0xbf: {  	[sflag:s0] =	ssyncadd.remote.s32 $0x1  }
0xc0: {  	_ =	sfence.sel $0xFFFF  }
0xc1: {  	[dreg:$0x0] =	wrdreg $0xFFFFFFFF;
	(pc) =	sbr.abs _section_cstart, $3  }
0xc2: {  	[dreg:$0x1] =	wrdreg $0xFFFFFFFF  }
0xc3: {  	_ =	task.clear_ibuf [dreg:s8], $0x2FFFF;
	_ =	strace $0x9FFFFFFF  }
0xc4: {  	(tm) =	ssettm $0x7FFFFFFF  }
0xc5: {  	_ =	shalt  }
tec
execute0_lowered:
.L_overlay_start_1:
0x0: {  	(tag) =	ssettag $0x1  }
0x1: {  	s1 =	rddreg [dreg:$0x0]  }
0x2: {  	s3 =	rddreg [dreg:$0x1]  }
0x3: {  	s10 =	rddreg [dreg:$0x2]  }
0x4: {  	s4 =	srdreg.scid;
	s0 =	rddreg [dreg:$0x3]  }
0x5: {  	s2 =	stileid.u32;
	s14 =	simm.s32 $0x4000;
	s15 =	simm.s32 $0x8000  }
0x6: {  	s16 =	simm.s32 $0xC000;
	s17 =	simm.s32 $0x1;
	s18 =	simm.s32 $0x2  }
0x7: {  	s19 =	simm.s32 $0x10000;
	s20 =	simm.s32 $0x3;
	s21 =	simm.s32 $0x10010  }
0x8: {  	s22 =	simm.s32 $0x0;
	s5 =	sand.u32 $0x1, s4;
	s4 =	simm.s32 $0x0  }
0x9: {  	s7 =	sshll.u32 s2, $0x1;
	s6 =	ssub.s32 $0x2, s5;
	[smem:$0x7FF] =	sst s4  }
0xa: {  	s9 =	sor.u32 s5, s7;
	s8 =	sshrl.u32 s6, $0x1;
	_ =	strace $0x80000047  }
.Ltmp0:
0xb: {  	s30 =	sshll.u32 s9, $0xE;
	s11 =	sshll.u32 s9, $0x11;
	(pc) =	sbr.rel .LBB2_1-.Ltmp0, $4  }
0xc: {  	s12 =	sshll.u32 s9, $0x1;
	s13 =	ssub.s32 s6, s8;
	s5 =	sadd.s32 s1, s30  }
0xd: {  	s31 =	sor.u32 $0x800, s30;
	s6 =	sadd.s32 s3, s30;
	s9 =	sor.u32 $0x8000, s11  }
0xe: {  	s10 =	sadd.s32 s10, s12;
	s11 =	sor.u32 $0xC000, s11;
	s7 =	sadd.s32 s1, s31  }
0xf: {  	v0 =	vimm.f32 $7.500000000e-01;
	s8 =	sadd.s32 s3, s31;
	s12 =	sadd.s32 $0x200, s10;
	s13 =	smax.u32 s13, $0x1  }
.LBB2_8:
0x10: {  	[tilespmem:$0x10000] =	vst v9  }
0x11: {  	[tilespmem:$0x10010] =	vst v6  }
0x12: {  	[hbm4b:s12+s4] =	stream.linear.scatter [tilespmem:s19], [sflag:$0x3], $0x10, $0x38;
	[tilespmem:$0x10080] =	vst v63  }
0x13: {  	s22 =	sadd.s32 $0x1, s22;
	_ =	swait.ge [sflag:s20], $0x10  }
0x14: {  	p0 =	sne.s32 s22, s13;
	[sflag:s20] =	ssyncset.done $0x0  }
.Ltmp1:
0x15: {  	[sflag:s20] =	ssyncadd.s32 $0xFFFFFFF0;
	(pc) =	sbr.rel @!p0 .LBB2_9-.Ltmp1, $4  }
0x16: {  	[hbm4b:s10+s4] =	stream.linear.scatter [tilespmem:s21], [sflag:$0x3], $0x10, $0x38;
	[tilespmem:$0x10080] =	vst v63  }
0x17: {  	_ =	swait.ge [sflag:s20], $0x10  }
0x18: {  	[sflag:s20] =	ssyncset.done $0x0  }
0x19: {  	[sflag:s20] =	ssyncadd.s32 $0xFFFFFFF0  }
.LBB2_1:
0x1a: {  	[tilespmem:s4], [sflag:$0x1] =	stream.linear.gather [hbm4b:s5+s4], $0x4000, $0x38;
	[tilespmem:$0x10080] =	vst v63  }
0x1b: {  	_ = 	snop  }
0x1c: {  	[tilespmem:s14], [sflag:$0x1] =	stream.linear.gather [hbm4b:s6+s4], $0x4000, $0x38;
	[tilespmem:$0x10080] =	vst v63  }
0x1d: {  	_ = 	snop  }
0x1e: {  	[tilespmem:s15], [sflag:$0x2] =	stream.linear.gather [hbm4b:s7+s4], $0x4000, $0x38;
	[tilespmem:$0x10080] =	vst v63  }
0x1f: {  	s23 =	simm.s32 $0x0  }
0x20: {  	v6 =	vimm.f32 $0.0e+00;
	v9 =	vimm.f32 $0.0e+00;
	[tilespmem:s16], [sflag:$0x2] =	stream.linear.gather [hbm4b:s8+s4], $0x4000, $0x38;
	[tilespmem:$0x10080] =	vst v63  }
.LBB2_2:
0x21: {  	_ =	swait.ge [sflag:s17], $0x4000  }
0x22: {  	[sflag:s17] =	ssyncset.done $0x0  }
0x23: {  	[sflag:s17] =	ssyncadd.s32 $0xFFFFC000  }
0x24: {  	s24 =	simm.s32 $0x0;
	_ =	swait.ge [sflag:s17], $0x4000  }
0x25: {  	s25 =	sand.u32 $0x70, s24;
	s26 =	sand.u32 $0x3C00, s24;
	[sflag:s17] =	ssyncset.done $0x0  }
0x26: {  	s25 =	sor.u32 s25, s26;
	[sflag:s17] =	ssyncadd.s32 $0xFFFFC000  }
0x27: {  	v2 =	vld [tilespmem:s25+$0x4300]  }
0x28: {  	v3 =	vld [tilespmem:s25+$0x4280]  }
0x29: {  	v5 =	vld [tilespmem:s25+$0x4200]  }
0x2a: {  	v7 =	vld [tilespmem:s25+$0x4180]  }
0x2b: {  	v8 =	vld [tilespmem:s25+$0x4100]  }
0x2c: {  	v4 =	vld [tilespmem:s25+$0x4080]  }
0x2d: {  	v1 =	vld [tilespmem:s25+$0x4000]  }
0x2e: {  	v10 =	vld [tilespmem:s25+$0x300]  }
0x2f: {  	v11 =	vld [tilespmem:s25+$0x280]  }
0x30: {  	v12 =	vld [tilespmem:s25+$0x200]  }
0x31: {  	v13 =	vld [tilespmem:s25+$0x180]  }
0x32: {  	v14 =	vld [tilespmem:s25+$0x100]  }
0x33: {  	v15 =	vld [tilespmem:s25+$0x80]  }
0x34: {  	v16 =	vld [tilespmem:s25+$0x0]  }
0x35: {  	vm1 =	vgt.f32 v2, $0.0e+00;
	vm0 =	vge.f32 v10, $0.0e+00;
	vm2 =	vgt.f32 v5, $0.0e+00  }
0x36: {  	vm11 =	vgt.f32 v3, $0.0e+00;
	vm12 =	vge.f32 v11, $0.0e+00;
	vm13 =	vge.f32 v12, $0.0e+00  }
0x37: {  	vm4 =	vgt.f32 v8, $0.0e+00;
	vm3 =	vgt.f32 v7, $0.0e+00;
	vm10 =	vge.f32 v13, $0.0e+00  }
0x38: {  	vm5 =	vgt.f32 v4, $0.0e+00;
	vm7 =	vge.f32 v15, $0.0e+00;
	vm9 =	vge.f32 v14, $0.0e+00  }
0x39: {  	vm6 =	vgt.f32 v1, $0.0e+00;
	vm8 =	vge.f32 v16, $0.0e+00;
	v20 =	vand.u32 $0x7FFFFFFF, v10  }
0x3a: {  	s31 =	sand.u32 $0x7, s24;
	v21 =	vand.u32 $0x7FFFFFFF, v13;
	v22 =	vand.u32 $0x7FFFFFFF, v12;
	v24 =	vand.u32 $0x7FFFFFFF, v11  }
0x3b: {  	s25 =	sshll.u32 s31, $0x4;
	v18 =	vand.u32 $0x7FFFFFFF, v16;
	v25 =	vand.u32 $0x7FFFFFFF, v15;
	v27 =	vand.u32 $0x7FFFFFFF, v14  }
0x3c: {  	s25 =	sadd.s32 $0x0, s25;
	v12 =	vsel vm11, $0x3E800000, v0;
	vm0 =	vmxor vm0, vm1;
	v10 =	vsel vm1, $0x3E800000, v0  }
0x3d: {  	s25 =	sor.u32 $0x380, s25;
	v13 =	vsel vm2, $0x3E800000, v0;
	vm1 =	vmxor vm12, vm11;
	v11 =	vsub.f32 $0.0e+00, v20  }
0x3e: {  	v23 =	vld [tilespmem:s25+$0x0];
	v14 =	vsel vm3, $0x3E800000, v0;
	v16 =	vsub.f32 $0.0e+00, v24;
	v17 =	vsub.f32 $0.0e+00, v22  }
0x3f: {  	vm2 =	vmxor vm13, vm2;
	v26 =	vsub.f32 $0.0e+00, v21;
	v11 =	vmul.f32 $1.442695020e+00, v11  }
0x40: {  	v19 =	vsub.f32 $0.0e+00, v27;
	v16 =	vmul.f32 $1.442695020e+00, v16;
	v17 =	vmul.f32 $1.442695020e+00, v17  }
0x41: {  	v28 =	vsub.f32 $0.0e+00, v25;
	v26 =	vmul.f32 $1.442695020e+00, v26;
	(erf) = vpow2.f32 v11  }
0x42: {  	v11 =	vsub.f32 $0.0e+00, v18;
	(erf) = vpow2.f32 v16;
	v16 =	vmul.f32 $1.442695020e+00, v19  }
0x43: {  	v19 =	vand.u32 $0x7FFFFFFF, v23;
	(erf) = vpow2.f32 v17;
	v17 =	vmul.f32 $1.442695020e+00, v28  }
0x44: {  	v28 =	vsub.f32 $0.0e+00, v19;
	v29 =	vmul.f32 $1.442695020e+00, v11;
	v11 =	vld [tilespmem:s25+$0x4000];
	(erf) = vpow2.f32 v26  }
0x45: {  	v15 =	vsel vm4, $0x3E800000, v0;
	vm3 =	vmxor vm10, vm3;
	(erf) = vpow2.f32 v16  }
0x46: {  	vm4 =	vmxor vm9, vm4;
	v26 =	vmul.f32 $1.442695020e+00, v28;
	(erf) = vpow2.f32 v17  }
0x47: {  	s26 =	simm.s32 $0x0;
	s25 =	simm.s32 $0x10;
	v16 =	vsel vm5, $0x3E800000, v0;
	v17 =	vsel vm6, $0x3E800000, v0;
	(erf) = vpow2.f32 v29  }
.LBB2_3:
0x48: {  	p0 =	sne.s32 s25, $0x7F0;
	vm6 =	vmxor vm8, vm6;
	vm8 =	vmxor vm7, vm5;
	(erf) = vpow2.f32 v26  }
0x49: {  	v20 =	vnsel vm0, $0x0, v20;
	vm7 =	vge.f32 v23, $0.0e+00;
	vm5 =	vgt.f32 v11, $0.0e+00  }
0x4a: {  	v23 =	vnsel vm3, $0x0, v21;
	v22 =	vnsel vm2, $0x0, v22;
	v21 =	vnsel vm1, $0x0, v24;
	v29 =	vpop (erf)  }
0x4b: {  	v24 =	vnsel vm4, $0x0, v27;
	v26 =	vnsel vm8, $0x0, v25;
	v25 =	vadd.f32 $1.000000000e+00, v29;
	v28 =	vpop (erf)  }
0x4c: {  	v36 =	vmul.f32 $1.741407810e-02, v29;
	v32 =	vadd.f32 $1.000000000e+00, v28;
	v35 =	vmul.f32 $1.741407810e-02, v28;
	v27 =	vpop (erf)  }
0x4d: {  	v42 =	vadd.f32 $1.000000000e+00, v27;
	v37 =	vmul.f32 $1.741407810e-02, v27;
	v30 =	vpop (erf);
	(erf) = vrcp.f32 v25  }
0x4e: {  	v44 =	vadd.f32 $1.000000000e+00, v30;
	v38 =	vmul.f32 $1.741407810e-02, v30;
	v31 =	vpop (erf);
	(erf) = vrcp.f32 v32  }
0x4f: {  	v32 =	vadd.f32 $1.000000000e+00, v31;
	v39 =	vmul.f32 $1.741407810e-02, v31;
	v33 =	vpop (erf);
	(erf) = vrcp.f32 v42  }
0x50: {  	v40 =	vadd.f32 $1.000000000e+00, v33;
	v41 =	vmul.f32 $1.741407810e-02, v33;
	v34 =	vpop (erf);
	(erf) = vrcp.f32 v44  }
0x51: {  	v42 =	vadd.f32 $1.000000000e+00, v34;
	v43 =	vmul.f32 $1.741407810e-02, v34;
	(erf) = vrcp.f32 v32;
	v25 =	vpop (erf)  }
0x52: {  	v32 =	vsub.f32 $8.269123730e-02, v36;
	v36 =	vadd.f32 $1.000000000e+00, v25;
	(erf) = vrcp.f32 v40  }
0x53: {  	v35 =	vsub.f32 $8.269123730e-02, v35;
	v37 =	vsub.f32 $8.269123730e-02, v37;
	v40 =	vmul.f32 $1.741407810e-02, v25  }
0x54: {  	v38 =	vsub.f32 $8.269123730e-02, v38;
	v39 =	vsub.f32 $8.269123730e-02, v39;
	(erf) = vrcp.f32 v42  }
0x55: {  	v41 =	vsub.f32 $8.269123730e-02, v41;
	v32 =	vmul.f32 v32, v29;
	(erf) = vrcp.f32 v36  }
0x56: {  	v35 =	vmul.f32 v35, v28;
	v37 =	vmul.f32 v37, v27;
	v36 =	vsub.f32 $8.269123730e-02, v43;
	v42 =	vpop (erf)  }
0x57: {  	v38 =	vmul.f32 v38, v30;
	v39 =	vmul.f32 v39, v31;
	v40 =	vsub.f32 $8.269123730e-02, v40;
	v43 =	vpop (erf)  }
0x58: {  	v35 =	vadd.f32 $-1.903543320e-01, v35;
	v41 =	vmul.f32 v41, v33;
	v32 =	vadd.f32 $-1.903543320e-01, v32;
	v44 =	vpop (erf)  }
0x59: {  	v37 =	vadd.f32 $-1.903543320e-01, v37;
	v38 =	vadd.f32 $-1.903543320e-01, v38;
	v36 =	vmul.f32 v36, v34;
	v45 =	vpop (erf)  }
0x5a: {  	v39 =	vadd.f32 $-1.903543320e-01, v39;
	v41 =	vadd.f32 $-1.903543320e-01, v41;
	v40 =	vmul.f32 v40, v25;
	v46 =	vpop (erf)  }
0x5b: {  	v35 =	vmul.f32 v35, v28;
	v50 =	vmul.f32 v32, v29;
	v36 =	vadd.f32 $-1.903543320e-01, v36;
	v47 =	vpop (erf)  }
0x5c: {  	v37 =	vmul.f32 v37, v27;
	v38 =	vmul.f32 v38, v30;
	v40 =	vadd.f32 $-1.903543320e-01, v40  }
0x5d: {  	v39 =	vmul.f32 v39, v31;
	v41 =	vmul.f32 v41, v33;
	v48 =	vadd.f32 $3.157473210e-01, v50;
	v49 =	vpop (erf)  }
0x5e: {  	v35 =	vadd.f32 $3.157473210e-01, v35;
	v37 =	vadd.f32 $3.157473210e-01, v37;
	v36 =	vmul.f32 v36, v34;
	v32 =	vpop (erf)  }
0x5f: {  	v38 =	vadd.f32 $3.157473210e-01, v38;
	v50 =	vnsel vm6, $0x0, v18;
	v39 =	vadd.f32 $3.157473210e-01, v39  }
0x60: {  	vm7 =	vmxor vm7, vm5;
	v41 =	vadd.f32 $3.157473210e-01, v41;
	v36 =	vadd.f32 $3.157473210e-01, v36  }
0x61: {  	v52 =	vsub.f32 $1.000000000e+00, v42;
	v51 =	vsub.f32 $1.000000000e+00, v43;
	v18 =	vnsel vm7, $0x0, v19  }
0x62: {  	v53 =	vsub.f32 $1.000000000e+00, v44;
	v19 =	vsub.f32 $1.000000000e+00, v45;
	v40 =	vmul.f32 v40, v25  }
0x63: {  	v55 =	vsub.f32 $1.000000000e+00, v46;
	v48 =	vmul.f32 v48, v29;
	v54 =	vsub.f32 $1.000000000e+00, v47  }
0x64: {  	v35 =	vmul.f32 v35, v28;
	v37 =	vmul.f32 v37, v27;
	v40 =	vadd.f32 $3.157473210e-01, v40  }
0x65: {  	v38 =	vmul.f32 v38, v30;
	v39 =	vmul.f32 v39, v31;
	v56 =	vsub.f32 $1.000000000e+00, v49  }
0x66: {  	v42 =	vsel vm0, v42, v52;
	v41 =	vmul.f32 v41, v33;
	v36 =	vmul.f32 v36, v34  }
0x67: {  	v43 =	vsel vm1, v43, v51;
	v44 =	vsel vm2, v44, v53;
	v51 =	vsub.f32 $1.000000000e+00, v32  }
0x68: {  	v19 =	vsel vm3, v45, v19;
	v46 =	vsel vm4, v46, v55;
	v47 =	vsel vm8, v47, v54  }
0x69: {  	v48 =	vadd.f32 $-4.973732230e-01, v48;
	v40 =	vmul.f32 v40, v25;
	v45 =	vsel vm6, v49, v56  }
0x6a: {  	v35 =	vadd.f32 $-4.973732230e-01, v35;
	v42 =	vmul.f32 v42, v42;
	v37 =	vadd.f32 $-4.973732230e-01, v37  }
0x6b: {  	v43 =	vmul.f32 v43, v43;
	v44 =	vmul.f32 v44, v44;
	v36 =	vadd.f32 $-4.973732230e-01, v36  }
0x6c: {  	v38 =	vadd.f32 $-4.973732230e-01, v38;
	v19 =	vmul.f32 v19, v19;
	v46 =	vmul.f32 v46, v46  }
0x6d: {  	v41 =	vadd.f32 $-4.973732230e-01, v41;
	v47 =	vmul.f32 v47, v47;
	v36 =	vmul.f32 v36, v34  }
0x6e: {  	v39 =	vadd.f32 $-4.973732230e-01, v39;
	v48 =	vmul.f32 v48, v29;
	v45 =	vmul.f32 v45, v45  }
0x6f: {  	v35 =	vmul.f32 v35, v28;
	v41 =	vmul.f32 v41, v33;
	v36 =	vadd.f32 $9.998477100e-01, v36  }
0x70: {  	v37 =	vmul.f32 v37, v27;
	v39 =	vmul.f32 v39, v31;
	v40 =	vadd.f32 $-4.973732230e-01, v40  }
0x71: {  	v38 =	vmul.f32 v38, v30;
	v34 =	vmul.f32 v36, v34;
	v36 =	vadd.f32 $9.998477100e-01, v41  }
0x72: {  	v39 =	vadd.f32 $9.998477100e-01, v39;
	v40 =	vmul.f32 v40, v25;
	v41 =	vadd.f32 $9.998477100e-01, v48  }
0x73: {  	v35 =	vadd.f32 $9.998477100e-01, v35;
	v34 =	vadd.f32 $1.472065040e-06, v34;
	v33 =	vmul.f32 v36, v33  }
0x74: {  	v37 =	vadd.f32 $9.998477100e-01, v37;
	v31 =	vmul.f32 v39, v31;
	v36 =	vadd.f32 $9.998477100e-01, v38  }
0x75: {  	v29 =	vmul.f32 v41, v29;
	v34 =	vadd.f32 v34, v50;
	v33 =	vadd.f32 $1.472065040e-06, v33  }
0x76: {  	v31 =	vadd.f32 $1.472065040e-06, v31;
	v30 =	vmul.f32 v36, v30;
	v36 =	vadd.f32 $9.998477100e-01, v40  }
0x77: {  	s24 =	sadd.s32 $0x80, s24;
	v28 =	vmul.f32 v35, v28;
	v17 =	vmul.f32 v34, v17;
	v26 =	vadd.f32 v33, v26  }
0x78: {  	s28 =	sand.u32 $0x70, s25;
	s29 =	sand.u32 $0x3C00, s24;
	v27 =	vmul.f32 v37, v27;
	v24 =	vadd.f32 v31, v24;
	v30 =	vadd.f32 $1.472065040e-06, v30  }
0x79: {  	s28 =	sor.u32 s28, s29;
	v17 =	vmul.f32 v17, v45;
	v16 =	vmul.f32 v26, v16;
	v26 =	vadd.f32 $1.472065040e-06, v29  }
0x7a: {  	v15 =	vmul.f32 v24, v15;
	v24 =	vadd.f32 $1.472065040e-06, v27;
	v23 =	vadd.f32 v30, v23;
	v29 =	vld [tilespmem:s28+$0x4300]  }
0x7b: {  	v1 =	vadd.f32 v1, v6;
	v9 =	vadd.f32 v17, v9;
	v6 =	vmul.f32 v16, v47;
	v27 =	vld [tilespmem:s28+$0x4280]  }
0x7c: {  	v14 =	vmul.f32 v23, v14;
	v17 =	vadd.f32 v24, v22;
	v22 =	vadd.f32 $1.472065040e-06, v28;
	v16 =	vld [tilespmem:s28+$0x4200]  }
0x7d: {  	v1 =	vadd.f32 v4, v1;
	v6 =	vadd.f32 v6, v9;
	v9 =	vmul.f32 v15, v46;
	v23 =	vld [tilespmem:s28+$0x4180]  }
0x7e: {  	v13 =	vmul.f32 v17, v13;
	v17 =	vadd.f32 v22, v21;
	v21 =	vmul.f32 v36, v25;
	v15 =	vld [tilespmem:s28+$0x4100]  }
0x7f: {  	v8 =	vadd.f32 v8, v1;
	v6 =	vadd.f32 v9, v6;
	v9 =	vmul.f32 v14, v19;
	v4 =	vld [tilespmem:s28+$0x4080]  }
0x80: {  	v12 =	vmul.f32 v17, v12;
	v14 =	vadd.f32 v26, v20;
	v17 =	vadd.f32 $1.472065040e-06, v21;
	v1 =	vld [tilespmem:s28+$0x4000]  }
0x81: {  	v21 =	vadd.f32 v7, v8;
	v6 =	vadd.f32 v9, v6;
	v9 =	vmul.f32 v13, v44;
	v19 =	vld [tilespmem:s28+$0x300]  }
0x82: {  	v10 =	vmul.f32 v14, v10;
	v14 =	vsel vm7, v32, v51;
	v17 =	vadd.f32 v17, v18;
	v13 =	vld [tilespmem:s28+$0x280];
	v7 =	vmovc v23  }
0x83: {  	v12 =	vmul.f32 v12, v43;
	v6 =	vadd.f32 v9, v6;
	v9 =	vadd.f32 v5, v21;
	v5 =	vmovc v16;
	v18 =	vld [tilespmem:s28+$0x200]  }
0x84: {  	v20 =	vsel vm5, $0x3E800000, v0;
	v14 =	vmul.f32 v14, v14;
	v10 =	vmul.f32 v10, v42;
	v8 =	vmovc v15;
	v16 =	vld [tilespmem:s28+$0x180]  }
0x85: {  	v6 =	vadd.f32 v12, v6;
	v9 =	vadd.f32 v3, v9;
	v12 =	vmul.f32 v17, v20;
	v3 =	vmovc v27;
	v15 =	vld [tilespmem:s28+$0x100]  }
0x86: {  	vm1 =	vgt.f32 v29, $0.0e+00;
	v17 =	vld [tilespmem:s28+$0x80];
	vm0 =	vge.f32 v19, $0.0e+00  }
0x87: {  	v6 =	vadd.f32 v10, v6;
	v10 =	vadd.f32 v2, v9;
	v9 =	vmul.f32 v12, v14;
	v2 =	vmovc v29;
	v23 =	vld [tilespmem:s28+$0x0]  }
0x88: {  	vm12 =	vgt.f32 v3, $0.0e+00;
	vm2 =	vgt.f32 v5, $0.0e+00;
	vm13 =	vge.f32 v13, $0.0e+00  }
0x89: {  	v9 =	vadd.f32 v9, v6;
	v6 =	vadd.f32 v11, v10;
	vm11 =	vge.f32 v18, $0.0e+00  }
0x8a: {  	vm3 =	vgt.f32 v7, $0.0e+00;
	vm4 =	vgt.f32 v8, $0.0e+00;
	vm10 =	vge.f32 v16, $0.0e+00  }
0x8b: {  	vm5 =	vgt.f32 v4, $0.0e+00;
	vm9 =	vge.f32 v15, $0.0e+00;
	vm7 =	vge.f32 v17, $0.0e+00  }
0x8c: {  	s26 =	sadd.s32 $0x1, s26;
	vm6 =	vgt.f32 v1, $0.0e+00;
	v20 =	vand.u32 $0x7FFFFFFF, v19;
	vm8 =	vge.f32 v23, $0.0e+00  }
0x8d: {  	s28 =	sand.u32 $0x7, s26;
	v24 =	vand.u32 $0x7FFFFFFF, v13;
	v22 =	vand.u32 $0x7FFFFFFF, v18;
	v21 =	vand.u32 $0x7FFFFFFF, v16  }
0x8e: {  	s28 =	sshll.u32 s28, $0x4;
	v27 =	vand.u32 $0x7FFFFFFF, v15;
	v25 =	vand.u32 $0x7FFFFFFF, v17;
	v18 =	vand.u32 $0x7FFFFFFF, v23  }
0x8f: {  	v10 =	vsel vm1, $0x3E800000, v0;
	v12 =	vsel vm12, $0x3E800000, v0;
	vm0 =	vmxor vm0, vm1;
	s28 =	sadd.s32 s28, s24  }
0x90: {  	v13 =	vsel vm2, $0x3E800000, v0;
	v11 =	vsub.f32 $0.0e+00, v20;
	vm1 =	vmxor vm13, vm12;
	s28 =	sor.u32 $0x380, s28  }
0x91: {  	v14 =	vsel vm3, $0x3E800000, v0;
	vm2 =	vmxor vm11, vm2;
	v16 =	vsub.f32 $0.0e+00, v24;
	v23 =	vld [tilespmem:s28+$0x0]  }
0x92: {  	v11 =	vmul.f32 $1.442695020e+00, v11;
	v15 =	vsel vm4, $0x3E800000, v0;
	v17 =	vsub.f32 $0.0e+00, v22  }
0x93: {  	v26 =	vsub.f32 $0.0e+00, v21;
	v19 =	vsub.f32 $0.0e+00, v27;
	v16 =	vmul.f32 $1.442695020e+00, v16  }
0x94: {  	v28 =	vsub.f32 $0.0e+00, v25;
	v17 =	vmul.f32 $1.442695020e+00, v17;
	(erf) = vpow2.f32 v11  }
0x95: {  	v26 =	vmul.f32 $1.442695020e+00, v26;
	v29 =	vsub.f32 $0.0e+00, v18;
	(erf) = vpow2.f32 v16  }
.Ltmp2:
0x96: {  	v16 =	vmul.f32 $1.442695020e+00, v19;
	v19 =	vand.u32 $0x7FFFFFFF, v23;
	(erf) = vpow2.f32 v17;
	(pc) =	sbr.rel @p0 .LBB2_3-.Ltmp2, $4  }
0x97: {  	v17 =	vmul.f32 $1.442695020e+00, v28;
	v11 =	vld [tilespmem:s28+$0x4000];
	v28 =	vsub.f32 $0.0e+00, v19;
	(erf) = vpow2.f32 v26  }
0x98: {  	vm3 =	vmxor vm10, vm3;
	v29 =	vmul.f32 $1.442695020e+00, v29;
	(erf) = vpow2.f32 v16  }
0x99: {  	v16 =	vsel vm5, $0x3E800000, v0;
	v26 =	vmul.f32 $1.442695020e+00, v28;
	(erf) = vpow2.f32 v17  }
0x9a: {  	s25 =	sadd.s32 $0x10, s25;
	vm4 =	vmxor vm9, vm4;
	v17 =	vsel vm6, $0x3E800000, v0;
	(erf) = vpow2.f32 v29  }
0x9b: {  	vm8 =	vmxor vm8, vm6;
	vm7 =	vmxor vm7, vm5  }
0x9c: {  	(erf) = vpow2.f32 v26;
	v20 =	vnsel vm0, $0x0, v20;
	vm6 =	vge.f32 v23, $0.0e+00  }
0x9d: {  	v23 =	vnsel vm3, $0x0, v21;
	v22 =	vnsel vm2, $0x0, v22;
	v21 =	vnsel vm1, $0x0, v24  }
0x9e: {  	v6 =	vadd.f32 v1, v6;
	vm5 =	vgt.f32 v11, $0.0e+00;
	v26 =	vnsel vm7, $0x0, v25;
	v29 =	vpop (erf)  }
0x9f: {  	v25 =	vnsel vm4, $0x0, v27;
	v18 =	vnsel vm8, $0x0, v18;
	vm6 =	vmxor vm6, vm5;
	v27 =	vpop (erf)  }
0xa0: {  	v24 =	vadd.f32 $1.000000000e+00, v29;
	v34 =	vmul.f32 $1.741407810e-02, v29;
	v19 =	vnsel vm6, $0x0, v19;
	v28 =	vpop (erf)  }
0xa1: {  	v32 =	vadd.f32 $1.000000000e+00, v27;
	v33 =	vmul.f32 $1.741407810e-02, v27;
	v35 =	vadd.f32 $1.000000000e+00, v28  }
0xa2: {  	v36 =	vmul.f32 $1.741407810e-02, v28;
	v30 =	vpop (erf);
	(erf) = vrcp.f32 v24;
	v57 =	vsub.f32 $8.269123730e-02, v34  }
0xa3: {  	v24 =	vadd.f32 $1.000000000e+00, v30;
	v37 =	vmul.f32 $1.741407810e-02, v30;
	v31 =	vpop (erf);
	(erf) = vrcp.f32 v32  }
0xa4: {  	v33 =	vsub.f32 $8.269123730e-02, v33;
	v55 =	vadd.f32 $1.000000000e+00, v31;
	v38 =	vmul.f32 $1.741407810e-02, v31  }
0xa5: {  	v39 =	vpop (erf);
	(erf) = vrcp.f32 v35;
	v59 =	vsub.f32 $8.269123730e-02, v36;
	v32 =	vmul.f32 v57, v29  }
0xa6: {  	v56 =	vadd.f32 $1.000000000e+00, v39;
	v40 =	vmul.f32 $1.741407810e-02, v39;
	v41 =	vpop (erf);
	(erf) = vrcp.f32 v24  }
0xa7: {  	v37 =	vsub.f32 $8.269123730e-02, v37;
	v33 =	vmul.f32 v33, v27;
	v42 =	vadd.f32 $1.000000000e+00, v41  }
0xa8: {  	v43 =	vmul.f32 $1.741407810e-02, v41;
	(erf) = vrcp.f32 v55;
	v38 =	vsub.f32 $8.269123730e-02, v38  }
0xa9: {  	v35 =	vmul.f32 v59, v28;
	v32 =	vadd.f32 $-1.903543320e-01, v32;
	(erf) = vrcp.f32 v56  }
0xaa: {  	v24 =	vpop (erf);
	v40 =	vsub.f32 $8.269123730e-02, v40;
	v37 =	vmul.f32 v37, v30;
	v33 =	vadd.f32 $-1.903543320e-01, v33  }
0xab: {  	v58 =	vadd.f32 $1.000000000e+00, v24;
	v60 =	vmul.f32 $1.741407810e-02, v24;
	(erf) = vrcp.f32 v42  }
0xac: {  	v61 =	vsub.f32 $8.269123730e-02, v43;
	v38 =	vmul.f32 v38, v31;
	v35 =	vadd.f32 $-1.903543320e-01, v35  }
0xad: {  	v32 =	vmul.f32 v32, v29;
	v40 =	vmul.f32 v40, v39;
	v37 =	vadd.f32 $-1.903543320e-01, v37  }
0xae: {  	v33 =	vmul.f32 v33, v27;
	(erf) = vrcp.f32 v58;
	v36 =	vsub.f32 $8.269123730e-02, v60  }
0xaf: {  	v34 =	vmul.f32 v61, v41;
	v38 =	vadd.f32 $-1.903543320e-01, v38;
	v35 =	vmul.f32 v35, v28  }
0xb0: {  	v32 =	vadd.f32 $3.157473210e-01, v32;
	v40 =	vadd.f32 $-1.903543320e-01, v40;
	v37 =	vmul.f32 v37, v30  }
0xb1: {  	v62 =	vpop (erf);
	v33 =	vadd.f32 $3.157473210e-01, v33;
	v36 =	vmul.f32 v36, v24;
	v34 =	vadd.f32 $-1.903543320e-01, v34  }
0xb2: {  	v38 =	vmul.f32 v38, v31;
	v35 =	vadd.f32 $3.157473210e-01, v35;
	v48 =	vsub.f32 $1.000000000e+00, v62  }
0xb3: {  	v63 =	vpop (erf);
	v32 =	vmul.f32 v32, v29;
	v40 =	vmul.f32 v40, v39;
	v37 =	vadd.f32 $3.157473210e-01, v37  }
0xb4: {  	v44 =	vpop (erf);
	v47 =	vsub.f32 $1.000000000e+00, v63;
	v33 =	vmul.f32 v33, v27;
	v36 =	vadd.f32 $-1.903543320e-01, v36  }
0xb5: {  	v34 =	vmul.f32 v34, v41;
	v38 =	vadd.f32 $3.157473210e-01, v38;
	v51 =	vsub.f32 $1.000000000e+00, v44  }
0xb6: {  	v45 =	vpop (erf);
	v35 =	vmul.f32 v35, v28;
	v42 =	vsel vm0, v62, v48;
	v32 =	vadd.f32 $-4.973732230e-01, v32  }
0xb7: {  	v40 =	vadd.f32 $3.157473210e-01, v40;
	v50 =	vsub.f32 $1.000000000e+00, v45;
	v37 =	vmul.f32 v37, v30  }
0xb8: {  	v46 =	vpop (erf);
	v43 =	vsel vm1, v63, v47;
	v42 =	vmul.f32 v42, v42;
	v33 =	vadd.f32 $-4.973732230e-01, v33  }
0xb9: {  	v34 =	vadd.f32 $3.157473210e-01, v34;
	v36 =	vmul.f32 v36, v24;
	v53 =	vsub.f32 $1.000000000e+00, v46  }
0xba: {  	v49 =	vpop (erf);
	v38 =	vmul.f32 v38, v31;
	v44 =	vsel vm2, v44, v51;
	v35 =	vadd.f32 $-4.973732230e-01, v35  }
0xbb: {  	v32 =	vmul.f32 v32, v29;
	v52 =	vsub.f32 $1.000000000e+00, v49;
	v40 =	vmul.f32 v40, v39  }
0xbc: {  	v45 =	vsel vm3, v45, v50;
	v44 =	vmul.f32 v44, v44;
	v34 =	vmul.f32 v34, v41  }
0xbd: {  	v54 =	vpop (erf);
	v37 =	vadd.f32 $-4.973732230e-01, v37;
	v33 =	vmul.f32 v33, v27;
	v36 =	vadd.f32 $3.157473210e-01, v36  }
0xbe: {  	v55 =	vsub.f32 $1.000000000e+00, v54;
	v46 =	vsel vm4, v46, v53;
	v34 =	vadd.f32 $-4.973732230e-01, v34  }
0xbf: {  	v45 =	vmul.f32 v45, v45;
	v38 =	vadd.f32 $-4.973732230e-01, v38;
	v35 =	vmul.f32 v35, v28  }
0xc0: {  	v32 =	vadd.f32 $9.998477100e-01, v32;
	v40 =	vadd.f32 $-4.973732230e-01, v40;
	v34 =	vmul.f32 v34, v41  }
0xc1: {  	v60 =	vsel vm7, v49, v52;
	v46 =	vmul.f32 v46, v46;
	v37 =	vmul.f32 v37, v30  }
0xc2: {  	s24 =	sshll.u32 s23, $0xF;
	p0 =	seq.s32 s23, $0x3;
	v56 =	vpop (erf);
	v33 =	vadd.f32 $9.998477100e-01, v33;
	v40 =	vmul.f32 v40, v39;
	v34 =	vadd.f32 $9.998477100e-01, v34  }
0xc3: {  	s25 =	sadd.s32 @!p0 s24, s9;
	v59 =	vsub.f32 $1.000000000e+00, v56;
	v61 =	vsel vm8, v54, v55;
	v38 =	vmul.f32 v38, v31  }
0xc4: {  	s25 =	sshrl.u32 @!p0 s25, $0x3;
	v36 =	vmul.f32 v36, v24;
	v40 =	vadd.f32 $9.998477100e-01, v40;
	v34 =	vmul.f32 v34, v41  }
0xc5: {  	s28 =	simm.s32 @!p0 $0x0;
	s26 =	sadd.s32 @!p0 s1, s25;
	v48 =	vmul.f32 v60, v60;
	v35 =	vadd.f32 $9.998477100e-01, v35;
	v38 =	vadd.f32 $9.998477100e-01, v38  }
0xc6: {  	[tilespmem:s28], [sflag:$0x1] =	stream.linear.gather @!p0 [hbm4b:s26+s28], $0x4000, $0x38;
	v29 =	vmul.f32 v32, v29;
	v39 =	vmul.f32 v40, v39;
	v34 =	vadd.f32 $1.472065040e-06, v34;
	[tilespmem:$0x10080] =	vst v63  }
0xc7: {  	s25 =	sadd.s32 @!p0 s3, s25;
	s26 =	simm.s32 @!p0 $0x4000;
	v37 =	vadd.f32 $9.998477100e-01, v37;
	v36 =	vadd.f32 $-4.973732230e-01, v36;
	v31 =	vmul.f32 v38, v31  }
0xc8: {  	[tilespmem:s26], [sflag:$0x1] =	stream.linear.gather @!p0 [hbm4b:s25+s28], $0x4000, $0x38;
	v49 =	vmul.f32 v61, v61;
	v62 =	vadd.f32 $1.472065040e-06, v39;
	v18 =	vadd.f32 v34, v18;
	[tilespmem:$0x10080] =	vst v63  }
0xc9: {  	_ =	swait.ge [sflag:s18], $0x4000;
	v28 =	vmul.f32 v35, v28;
	v36 =	vmul.f32 v36, v24;
	v31 =	vadd.f32 $1.472065040e-06, v31  }
0xca: {  	[sflag:s18] =	ssyncset.done $0x0;
	v30 =	vmul.f32 v37, v30;
	v17 =	vmul.f32 v18, v17;
	v18 =	vadd.f32 v62, v26  }
0xcb: {  	[sflag:s18] =	ssyncadd.s32 $0xFFFFC000;
	v63 =	vadd.f32 $9.998477100e-01, v36;
	v25 =	vadd.f32 v31, v25;
	v26 =	vmul.f32 v33, v27  }
0xcc: {  	s25 =	simm.s32 $0x0;
	_ =	swait.ge [sflag:s18], $0x4000;
	v27 =	vadd.f32 $1.472065040e-06, v30;
	v17 =	vmul.f32 v17, v49;
	v16 =	vmul.f32 v18, v16  }
0xcd: {  	s30 =	sand.u32 $0x70, s25;
	s28 =	sand.u32 $0x3C00, s25;
	[sflag:s18] =	ssyncset.done $0x0;
	v15 =	vmul.f32 v25, v15;
	v25 =	vadd.f32 $1.472065040e-06, v28;
	v18 =	vadd.f32 $1.472065040e-06, v29  }
0xce: {  	s26 =	sor.u32 s30, s28;
	[sflag:s18] =	ssyncadd.s32 $0xFFFFC000;
	v23 =	vadd.f32 v27, v23;
	v9 =	vadd.f32 v17, v9;
	v16 =	vmul.f32 v16, v48  }
0xcf: {  	v1 =	vld [tilespmem:s26+$0xC300];
	v15 =	vmul.f32 v15, v46;
	v17 =	vadd.f32 v25, v22;
	v22 =	vadd.f32 $1.472065040e-06, v26  }
0xd0: {  	v14 =	vmul.f32 v23, v14;
	v9 =	vadd.f32 v16, v9;
	v16 =	vadd.f32 v4, v6;
	v4 =	vld [tilespmem:s26+$0xC280]  }
0xd1: {  	v13 =	vmul.f32 v17, v13;
	v17 =	vadd.f32 v22, v21;
	v21 =	vmul.f32 v63, v24;
	v6 =	vld [tilespmem:s26+$0xC200]  }
0xd2: {  	v14 =	vmul.f32 v14, v45;
	v15 =	vadd.f32 v15, v9;
	v16 =	vadd.f32 v8, v16;
	v8 =	vld [tilespmem:s26+$0xC180]  }
0xd3: {  	v12 =	vmul.f32 v17, v12;
	v17 =	vadd.f32 v18, v20;
	v18 =	vadd.f32 $1.472065040e-06, v21;
	v9 =	vld [tilespmem:s26+$0xC100]  }
0xd4: {  	v43 =	vmul.f32 v43, v43;
	v14 =	vadd.f32 v14, v15;
	v15 =	vadd.f32 v7, v16;
	v7 =	vld [tilespmem:s26+$0xC080]  }
0xd5: {  	vm1 =	vgt.f32 v1, $0.0e+00;
	v13 =	vmul.f32 v13, v44;
	v16 =	vmul.f32 v17, v10;
	v10 =	vld [tilespmem:s26+$0xC000]  }
0xd6: {  	v17 =	vsel vm6, v56, v59;
	v18 =	vadd.f32 v18, v19;
	v12 =	vmul.f32 v12, v43;
	v19 =	vld [tilespmem:s26+$0x8280]  }
0xd7: {  	v17 =	vmul.f32 v17, v17;
	vm2 =	vgt.f32 v6, $0.0e+00;
	vm11 =	vgt.f32 v4, $0.0e+00  }
0xd8: {  	v13 =	vadd.f32 v13, v14;
	v5 =	vadd.f32 v5, v15;
	v14 =	vld [tilespmem:s26+$0x8300];
	v15 =	vmul.f32 v16, v42  }
0xd9: {  	v16 =	vsel vm5, $0x3E800000, v0;
	vm4 =	vgt.f32 v9, $0.0e+00;
	vm3 =	vgt.f32 v8, $0.0e+00  }
0xda: {  	v12 =	vadd.f32 v12, v13;
	v3 =	vadd.f32 v3, v5;
	v5 =	vmul.f32 v18, v16;
	v13 =	vld [tilespmem:s26+$0x8200]  }
0xdb: {  	v16 =	vld [tilespmem:s26+$0x8180];
	vm12 =	vge.f32 v19, $0.0e+00;
	vm5 =	vgt.f32 v7, $0.0e+00;
	vm6 =	vgt.f32 v10, $0.0e+00  }
0xdc: {  	v12 =	vadd.f32 v15, v12;
	v3 =	vadd.f32 v2, v3;
	v2 =	vmul.f32 v5, v17  }
0xdd: {  	v24 =	vand.u32 $0x7FFFFFFF, v19;
	v5 =	vld [tilespmem:s26+$0x8100];
	vm0 =	vge.f32 v14, $0.0e+00;
	v20 =	vand.u32 $0x7FFFFFFF, v14  }
0xde: {  	v14 =	vsel vm3, $0x3E800000, v0;
	v2 =	vadd.f32 v2, v12;
	v3 =	vadd.f32 v11, v3;
	v11 =	vld [tilespmem:s26+$0x8000]  }
0xdf: {  	v15 =	vld [tilespmem:s26+$0x8080];
	v12 =	vsel vm11, $0x3E800000, v0;
	vm0 =	vmxor vm0, vm1;
	vm13 =	vge.f32 v13, $0.0e+00  }
0xe0: {  	s31 =	sand.u32 $0x7, s25;
	vm10 =	vge.f32 v16, $0.0e+00;
	v21 =	vand.u32 $0x7FFFFFFF, v16;
	v22 =	vand.u32 $0x7FFFFFFF, v13  }
0xe1: {  	s26 =	sshll.u32 s31, $0x4;
	v13 =	vsel vm2, $0x3E800000, v0;
	v16 =	vsub.f32 $0.0e+00, v24;
	vm2 =	vmxor vm13, vm2  }
0xe2: {  	s26 =	sadd.s32 $0x0, s26;
	v17 =	vsub.f32 $0.0e+00, v22;
	v26 =	vsub.f32 $0.0e+00, v21;
	vm3 =	vmxor vm10, vm3  }
0xe3: {  	s26 =	sor.u32 $0x380, s26;
	vm8 =	vge.f32 v11, $0.0e+00;
	v18 =	vand.u32 $0x7FFFFFFF, v11;
	v11 =	vsub.f32 $0.0e+00, v20  }
0xe4: {  	vm7 =	vge.f32 v15, $0.0e+00;
	vm9 =	vge.f32 v5, $0.0e+00;
	v25 =	vand.u32 $0x7FFFFFFF, v15;
	v23 =	vld [tilespmem:s26+$0x8000]  }
0xe5: {  	v27 =	vand.u32 $0x7FFFFFFF, v5;
	v5 =	vsel vm1, $0x3E800000, v0;
	v11 =	vmul.f32 $1.442695020e+00, v11  }
0xe6: {  	v16 =	vmul.f32 $1.442695020e+00, v16;
	v19 =	vsub.f32 $0.0e+00, v27;
	v17 =	vmul.f32 $1.442695020e+00, v17  }
0xe7: {  	v28 =	vsub.f32 $0.0e+00, v25;
	v26 =	vmul.f32 $1.442695020e+00, v26;
	(erf) = vpow2.f32 v11  }
0xe8: {  	v11 =	vsub.f32 $0.0e+00, v18;
	(erf) = vpow2.f32 v16;
	v16 =	vmul.f32 $1.442695020e+00, v19  }
0xe9: {  	v19 =	vand.u32 $0x7FFFFFFF, v23;
	(erf) = vpow2.f32 v17;
	v17 =	vmul.f32 $1.442695020e+00, v28  }
0xea: {  	v28 =	vsub.f32 $0.0e+00, v19;
	v29 =	vmul.f32 $1.442695020e+00, v11;
	v11 =	vld [tilespmem:s26+$0xC000];
	(erf) = vpow2.f32 v26  }
0xeb: {  	vm1 =	vmxor vm12, vm11;
	v15 =	vsel vm4, $0x3E800000, v0;
	(erf) = vpow2.f32 v16  }
0xec: {  	vm4 =	vmxor vm9, vm4;
	v26 =	vmul.f32 $1.442695020e+00, v28;
	(erf) = vpow2.f32 v17  }
0xed: {  	s28 =	simm.s32 $0x0;
	s26 =	simm.s32 $0x10;
	v16 =	vsel vm5, $0x3E800000, v0;
	v17 =	vsel vm6, $0x3E800000, v0;
	(erf) = vpow2.f32 v29  }
.LBB2_5:
0xee: {  	p1 =	sne.s32 s26, $0x7F0;
	vm6 =	vmxor vm8, vm6;
	vm8 =	vmxor vm7, vm5;
	(erf) = vpow2.f32 v26  }
0xef: {  	v20 =	vnsel vm0, $0x0, v20;
	vm7 =	vge.f32 v23, $0.0e+00;
	vm5 =	vgt.f32 v11, $0.0e+00  }
0xf0: {  	v23 =	vnsel vm3, $0x0, v21;
	v22 =	vnsel vm2, $0x0, v22;
	v21 =	vnsel vm1, $0x0, v24;
	v29 =	vpop (erf)  }
0xf1: {  	v24 =	vnsel vm4, $0x0, v27;
	v26 =	vnsel vm8, $0x0, v25;
	v25 =	vadd.f32 $1.000000000e+00, v29;
	v28 =	vpop (erf)  }
0xf2: {  	v36 =	vmul.f32 $1.741407810e-02, v29;
	v32 =	vadd.f32 $1.000000000e+00, v28;
	v35 =	vmul.f32 $1.741407810e-02, v28;
	v27 =	vpop (erf)  }
0xf3: {  	v42 =	vadd.f32 $1.000000000e+00, v27;
	v37 =	vmul.f32 $1.741407810e-02, v27;
	v30 =	vpop (erf);
	(erf) = vrcp.f32 v25  }
0xf4: {  	v44 =	vadd.f32 $1.000000000e+00, v30;
	v38 =	vmul.f32 $1.741407810e-02, v30;
	v31 =	vpop (erf);
	(erf) = vrcp.f32 v32  }
0xf5: {  	v32 =	vadd.f32 $1.000000000e+00, v31;
	v39 =	vmul.f32 $1.741407810e-02, v31;
	v33 =	vpop (erf);
	(erf) = vrcp.f32 v42  }
0xf6: {  	v40 =	vadd.f32 $1.000000000e+00, v33;
	v41 =	vmul.f32 $1.741407810e-02, v33;
	v34 =	vpop (erf);
	(erf) = vrcp.f32 v44  }
0xf7: {  	v42 =	vadd.f32 $1.000000000e+00, v34;
	v43 =	vmul.f32 $1.741407810e-02, v34;
	(erf) = vrcp.f32 v32;
	v25 =	vpop (erf)  }
0xf8: {  	v32 =	vsub.f32 $8.269123730e-02, v36;
	v36 =	vadd.f32 $1.000000000e+00, v25;
	(erf) = vrcp.f32 v40  }
0xf9: {  	v35 =	vsub.f32 $8.269123730e-02, v35;
	v37 =	vsub.f32 $8.269123730e-02, v37;
	v40 =	vmul.f32 $1.741407810e-02, v25  }
0xfa: {  	v38 =	vsub.f32 $8.269123730e-02, v38;
	v39 =	vsub.f32 $8.269123730e-02, v39;
	(erf) = vrcp.f32 v42  }
0xfb: {  	v41 =	vsub.f32 $8.269123730e-02, v41;
	v32 =	vmul.f32 v32, v29;
	(erf) = vrcp.f32 v36  }
0xfc: {  	v35 =	vmul.f32 v35, v28;
	v37 =	vmul.f32 v37, v27;
	v36 =	vsub.f32 $8.269123730e-02, v43;
	v42 =	vpop (erf)  }
0xfd: {  	v38 =	vmul.f32 v38, v30;
	v39 =	vmul.f32 v39, v31;
	v40 =	vsub.f32 $8.269123730e-02, v40;
	v43 =	vpop (erf)  }
0xfe: {  	v35 =	vadd.f32 $-1.903543320e-01, v35;
	v41 =	vmul.f32 v41, v33;
	v32 =	vadd.f32 $-1.903543320e-01, v32;
	v44 =	vpop (erf)  }
0xff: {  	v37 =	vadd.f32 $-1.903543320e-01, v37;
	v38 =	vadd.f32 $-1.903543320e-01, v38;
	v36 =	vmul.f32 v36, v34;
	v45 =	vpop (erf)  }
0x100: {  	v39 =	vadd.f32 $-1.903543320e-01, v39;
	v41 =	vadd.f32 $-1.903543320e-01, v41;
	v40 =	vmul.f32 v40, v25;
	v46 =	vpop (erf)  }
0x101: {  	v35 =	vmul.f32 v35, v28;
	v50 =	vmul.f32 v32, v29;
	v36 =	vadd.f32 $-1.903543320e-01, v36;
	v47 =	vpop (erf)  }
0x102: {  	v37 =	vmul.f32 v37, v27;
	v38 =	vmul.f32 v38, v30;
	v40 =	vadd.f32 $-1.903543320e-01, v40  }
0x103: {  	v39 =	vmul.f32 v39, v31;
	v41 =	vmul.f32 v41, v33;
	v48 =	vadd.f32 $3.157473210e-01, v50;
	v49 =	vpop (erf)  }
0x104: {  	v35 =	vadd.f32 $3.157473210e-01, v35;
	v37 =	vadd.f32 $3.157473210e-01, v37;
	v36 =	vmul.f32 v36, v34;
	v32 =	vpop (erf)  }
0x105: {  	v38 =	vadd.f32 $3.157473210e-01, v38;
	v50 =	vnsel vm6, $0x0, v18;
	v39 =	vadd.f32 $3.157473210e-01, v39  }
0x106: {  	vm7 =	vmxor vm7, vm5;
	v41 =	vadd.f32 $3.157473210e-01, v41;
	v36 =	vadd.f32 $3.157473210e-01, v36  }
0x107: {  	v52 =	vsub.f32 $1.000000000e+00, v42;
	v51 =	vsub.f32 $1.000000000e+00, v43;
	v18 =	vnsel vm7, $0x0, v19  }
0x108: {  	v53 =	vsub.f32 $1.000000000e+00, v44;
	v19 =	vsub.f32 $1.000000000e+00, v45;
	v40 =	vmul.f32 v40, v25  }
0x109: {  	v55 =	vsub.f32 $1.000000000e+00, v46;
	v48 =	vmul.f32 v48, v29;
	v54 =	vsub.f32 $1.000000000e+00, v47  }
0x10a: {  	v35 =	vmul.f32 v35, v28;
	v37 =	vmul.f32 v37, v27;
	v40 =	vadd.f32 $3.157473210e-01, v40  }
0x10b: {  	v38 =	vmul.f32 v38, v30;
	v39 =	vmul.f32 v39, v31;
	v56 =	vsub.f32 $1.000000000e+00, v49  }
0x10c: {  	v42 =	vsel vm0, v42, v52;
	v41 =	vmul.f32 v41, v33;
	v36 =	vmul.f32 v36, v34  }
0x10d: {  	v43 =	vsel vm1, v43, v51;
	v44 =	vsel vm2, v44, v53;
	v51 =	vsub.f32 $1.000000000e+00, v32  }
0x10e: {  	v19 =	vsel vm3, v45, v19;
	v46 =	vsel vm4, v46, v55;
	v47 =	vsel vm8, v47, v54  }
0x10f: {  	v48 =	vadd.f32 $-4.973732230e-01, v48;
	v40 =	vmul.f32 v40, v25;
	v45 =	vsel vm6, v49, v56  }
0x110: {  	v35 =	vadd.f32 $-4.973732230e-01, v35;
	v42 =	vmul.f32 v42, v42;
	v37 =	vadd.f32 $-4.973732230e-01, v37  }
0x111: {  	v43 =	vmul.f32 v43, v43;
	v44 =	vmul.f32 v44, v44;
	v36 =	vadd.f32 $-4.973732230e-01, v36  }
0x112: {  	v38 =	vadd.f32 $-4.973732230e-01, v38;
	v19 =	vmul.f32 v19, v19;
	v46 =	vmul.f32 v46, v46  }
0x113: {  	v41 =	vadd.f32 $-4.973732230e-01, v41;
	v47 =	vmul.f32 v47, v47;
	v36 =	vmul.f32 v36, v34  }
0x114: {  	v39 =	vadd.f32 $-4.973732230e-01, v39;
	v48 =	vmul.f32 v48, v29;
	v45 =	vmul.f32 v45, v45  }
0x115: {  	v35 =	vmul.f32 v35, v28;
	v41 =	vmul.f32 v41, v33;
	v36 =	vadd.f32 $9.998477100e-01, v36  }
0x116: {  	v37 =	vmul.f32 v37, v27;
	v39 =	vmul.f32 v39, v31;
	v40 =	vadd.f32 $-4.973732230e-01, v40  }
0x117: {  	v38 =	vmul.f32 v38, v30;
	v34 =	vmul.f32 v36, v34;
	v36 =	vadd.f32 $9.998477100e-01, v41  }
0x118: {  	v39 =	vadd.f32 $9.998477100e-01, v39;
	v40 =	vmul.f32 v40, v25;
	v41 =	vadd.f32 $9.998477100e-01, v48  }
0x119: {  	v35 =	vadd.f32 $9.998477100e-01, v35;
	v34 =	vadd.f32 $1.472065040e-06, v34;
	v33 =	vmul.f32 v36, v33  }
0x11a: {  	v37 =	vadd.f32 $9.998477100e-01, v37;
	v31 =	vmul.f32 v39, v31;
	v36 =	vadd.f32 $9.998477100e-01, v38  }
0x11b: {  	v29 =	vmul.f32 v41, v29;
	v34 =	vadd.f32 v34, v50;
	v33 =	vadd.f32 $1.472065040e-06, v33  }
0x11c: {  	v31 =	vadd.f32 $1.472065040e-06, v31;
	v30 =	vmul.f32 v36, v30;
	v36 =	vadd.f32 $9.998477100e-01, v40  }
0x11d: {  	s25 =	sadd.s32 $0x80, s25;
	v28 =	vmul.f32 v35, v28;
	v17 =	vmul.f32 v34, v17;
	v26 =	vadd.f32 v33, v26  }
0x11e: {  	s29 =	sand.u32 $0x70, s26;
	s30 =	sand.u32 $0x3C00, s25;
	v27 =	vmul.f32 v37, v27;
	v24 =	vadd.f32 v31, v24;
	v30 =	vadd.f32 $1.472065040e-06, v30  }
0x11f: {  	s29 =	sor.u32 s29, s30;
	v17 =	vmul.f32 v17, v45;
	v16 =	vmul.f32 v26, v16;
	v26 =	vadd.f32 $1.472065040e-06, v29  }
0x120: {  	v15 =	vmul.f32 v24, v15;
	v24 =	vadd.f32 $1.472065040e-06, v27;
	v23 =	vadd.f32 v30, v23;
	v29 =	vld [tilespmem:s29+$0xC300]  }
0x121: {  	v3 =	vadd.f32 v10, v3;
	v2 =	vadd.f32 v17, v2;
	v10 =	vmul.f32 v16, v47;
	v27 =	vld [tilespmem:s29+$0xC280]  }
0x122: {  	v14 =	vmul.f32 v23, v14;
	v17 =	vadd.f32 v24, v22;
	v22 =	vadd.f32 $1.472065040e-06, v28;
	v16 =	vld [tilespmem:s29+$0xC200]  }
0x123: {  	v3 =	vadd.f32 v7, v3;
	v2 =	vadd.f32 v10, v2;
	v10 =	vmul.f32 v15, v46;
	v23 =	vld [tilespmem:s29+$0xC180]  }
0x124: {  	v13 =	vmul.f32 v17, v13;
	v17 =	vadd.f32 v22, v21;
	v21 =	vmul.f32 v36, v25;
	v15 =	vld [tilespmem:s29+$0xC100]  }
0x125: {  	v3 =	vadd.f32 v9, v3;
	v9 =	vmul.f32 v14, v19;
	v2 =	vadd.f32 v10, v2;
	v7 =	vld [tilespmem:s29+$0xC080]  }
0x126: {  	v14 =	vadd.f32 v26, v20;
	v12 =	vmul.f32 v17, v12;
	v17 =	vadd.f32 $1.472065040e-06, v21;
	v10 =	vld [tilespmem:s29+$0xC000]  }
0x127: {  	v3 =	vadd.f32 v8, v3;
	v21 =	vmul.f32 v13, v44;
	v2 =	vadd.f32 v9, v2;
	v19 =	vld [tilespmem:s29+$0x8300]  }
0x128: {  	v5 =	vmul.f32 v14, v5;
	v14 =	vsel vm7, v32, v51;
	v17 =	vadd.f32 v17, v18;
	v13 =	vld [tilespmem:s29+$0x8280];
	v8 =	vmovc v23  }
0x129: {  	v3 =	vadd.f32 v6, v3;
	v12 =	vmul.f32 v12, v43;
	v2 =	vadd.f32 v21, v2;
	v6 =	vmovc v16;
	v18 =	vld [tilespmem:s29+$0x8200]  }
0x12a: {  	v20 =	vsel vm5, $0x3E800000, v0;
	v14 =	vmul.f32 v14, v14;
	v5 =	vmul.f32 v5, v42;
	v9 =	vmovc v15;
	v16 =	vld [tilespmem:s29+$0x8180]  }
0x12b: {  	v3 =	vadd.f32 v4, v3;
	v2 =	vadd.f32 v12, v2;
	v12 =	vmul.f32 v17, v20;
	v4 =	vmovc v27;
	v15 =	vld [tilespmem:s29+$0x8100]  }
0x12c: {  	vm1 =	vgt.f32 v29, $0.0e+00;
	v17 =	vld [tilespmem:s29+$0x8080];
	vm0 =	vge.f32 v19, $0.0e+00  }
0x12d: {  	v3 =	vadd.f32 v1, v3;
	v2 =	vadd.f32 v5, v2;
	v5 =	vmul.f32 v12, v14;
	v1 =	vmovc v29;
	v23 =	vld [tilespmem:s29+$0x8000]  }
0x12e: {  	vm12 =	vgt.f32 v4, $0.0e+00;
	vm2 =	vgt.f32 v6, $0.0e+00;
	vm13 =	vge.f32 v13, $0.0e+00  }
0x12f: {  	v3 =	vadd.f32 v11, v3;
	v2 =	vadd.f32 v5, v2;
	vm11 =	vge.f32 v18, $0.0e+00  }
0x130: {  	vm3 =	vgt.f32 v8, $0.0e+00;
	vm4 =	vgt.f32 v9, $0.0e+00;
	vm10 =	vge.f32 v16, $0.0e+00  }
0x131: {  	vm5 =	vgt.f32 v7, $0.0e+00;
	vm9 =	vge.f32 v15, $0.0e+00;
	vm7 =	vge.f32 v17, $0.0e+00  }
0x132: {  	s28 =	sadd.s32 $0x1, s28;
	vm6 =	vgt.f32 v10, $0.0e+00;
	v20 =	vand.u32 $0x7FFFFFFF, v19;
	vm8 =	vge.f32 v23, $0.0e+00  }
0x133: {  	s29 =	sand.u32 $0x7, s28;
	v24 =	vand.u32 $0x7FFFFFFF, v13;
	v22 =	vand.u32 $0x7FFFFFFF, v18;
	v21 =	vand.u32 $0x7FFFFFFF, v16  }
0x134: {  	s29 =	sshll.u32 s29, $0x4;
	v27 =	vand.u32 $0x7FFFFFFF, v15;
	v25 =	vand.u32 $0x7FFFFFFF, v17;
	v18 =	vand.u32 $0x7FFFFFFF, v23  }
0x135: {  	v5 =	vsel vm1, $0x3E800000, v0;
	v12 =	vsel vm12, $0x3E800000, v0;
	vm0 =	vmxor vm0, vm1;
	s29 =	sadd.s32 s29, s25  }
0x136: {  	v13 =	vsel vm2, $0x3E800000, v0;
	v11 =	vsub.f32 $0.0e+00, v20;
	vm1 =	vmxor vm13, vm12;
	s29 =	sor.u32 $0x380, s29  }
0x137: {  	v14 =	vsel vm3, $0x3E800000, v0;
	vm2 =	vmxor vm11, vm2;
	v16 =	vsub.f32 $0.0e+00, v24;
	v23 =	vld [tilespmem:s29+$0x8000]  }
0x138: {  	v11 =	vmul.f32 $1.442695020e+00, v11;
	v15 =	vsel vm4, $0x3E800000, v0;
	v17 =	vsub.f32 $0.0e+00, v22  }
0x139: {  	v26 =	vsub.f32 $0.0e+00, v21;
	v19 =	vsub.f32 $0.0e+00, v27;
	v16 =	vmul.f32 $1.442695020e+00, v16  }
0x13a: {  	v28 =	vsub.f32 $0.0e+00, v25;
	v17 =	vmul.f32 $1.442695020e+00, v17;
	(erf) = vpow2.f32 v11  }
0x13b: {  	v26 =	vmul.f32 $1.442695020e+00, v26;
	v29 =	vsub.f32 $0.0e+00, v18;
	(erf) = vpow2.f32 v16  }
.Ltmp3:
0x13c: {  	v16 =	vmul.f32 $1.442695020e+00, v19;
	v19 =	vand.u32 $0x7FFFFFFF, v23;
	(erf) = vpow2.f32 v17;
	(pc) =	sbr.rel @p1 .LBB2_5-.Ltmp3, $4  }
0x13d: {  	v17 =	vmul.f32 $1.442695020e+00, v28;
	v11 =	vld [tilespmem:s29+$0xC000];
	v28 =	vsub.f32 $0.0e+00, v19;
	(erf) = vpow2.f32 v26  }
0x13e: {  	vm3 =	vmxor vm10, vm3;
	v29 =	vmul.f32 $1.442695020e+00, v29;
	(erf) = vpow2.f32 v16  }
0x13f: {  	v16 =	vsel vm5, $0x3E800000, v0;
	v26 =	vmul.f32 $1.442695020e+00, v28;
	(erf) = vpow2.f32 v17  }
0x140: {  	s26 =	sadd.s32 $0x10, s26;
	vm4 =	vmxor vm9, vm4;
	v17 =	vsel vm6, $0x3E800000, v0;
	(erf) = vpow2.f32 v29  }
0x141: {  	vm6 =	vmxor vm8, vm6;
	vm7 =	vmxor vm7, vm5;
	(erf) = vpow2.f32 v26  }
0x142: {  	v20 =	vnsel vm0, $0x0, v20;
	vm15 =	vge.f32 v23, $0.0e+00;
	v23 =	vnsel vm3, $0x0, v21  }
0x143: {  	v22 =	vnsel vm2, $0x0, v22;
	v21 =	vnsel vm1, $0x0, v24;
	v3 =	vadd.f32 v10, v3  }
0x144: {  	v24 =	vnsel vm4, $0x0, v27;
	vm14 =	vgt.f32 v11, $0.0e+00;
	v25 =	vnsel vm7, $0x0, v25  }
0x145: {  	v18 =	vnsel vm6, $0x0, v18;
	v28 =	vpop (erf);
	vm8 =	vmxor vm15, vm14;
	v3 =	vadd.f32 v7, v3  }
0x146: {  	v29 =	vadd.f32 $1.000000000e+00, v28;
	v26 =	vpop (erf);
	v33 =	vmul.f32 $1.741407810e-02, v28;
	v19 =	vnsel vm8, $0x0, v19  }
0x147: {  	v31 =	vadd.f32 $1.000000000e+00, v26;
	v32 =	vmul.f32 $1.741407810e-02, v26;
	v27 =	vpop (erf);
	v3 =	vadd.f32 v9, v3  }
0x148: {  	v34 =	vadd.f32 $1.000000000e+00, v27;
	v35 =	vmul.f32 $1.741407810e-02, v27;
	v30 =	vpop (erf);
	(erf) = vrcp.f32 v29  }
0x149: {  	v55 =	vsub.f32 $8.269123730e-02, v33;
	v52 =	vadd.f32 $1.000000000e+00, v30;
	v36 =	vmul.f32 $1.741407810e-02, v30  }
0x14a: {  	v37 =	vpop (erf);
	(erf) = vrcp.f32 v31;
	v32 =	vsub.f32 $8.269123730e-02, v32;
	v3 =	vadd.f32 v8, v3  }
0x14b: {  	v53 =	vadd.f32 $1.000000000e+00, v37;
	v38 =	vmul.f32 $1.741407810e-02, v37;
	v39 =	vpop (erf);
	(erf) = vrcp.f32 v34  }
0x14c: {  	v57 =	vsub.f32 $8.269123730e-02, v35;
	v31 =	vmul.f32 v55, v28;
	v54 =	vadd.f32 $1.000000000e+00, v39  }
0x14d: {  	v40 =	vmul.f32 $1.741407810e-02, v39;
	v41 =	vpop (erf);
	(erf) = vrcp.f32 v52;
	v36 =	vsub.f32 $8.269123730e-02, v36  }
0x14e: {  	v32 =	vmul.f32 v32, v26;
	v3 =	vadd.f32 v6, v3;
	v42 =	vadd.f32 $1.000000000e+00, v41  }
0x14f: {  	v43 =	vmul.f32 $1.741407810e-02, v41;
	(erf) = vrcp.f32 v53;
	v29 =	vpop (erf);
	v38 =	vsub.f32 $8.269123730e-02, v38  }
0x150: {  	v34 =	vmul.f32 v57, v27;
	v31 =	vadd.f32 $-1.903543320e-01, v31;
	v56 =	vadd.f32 $1.000000000e+00, v29  }
0x151: {  	(erf) = vrcp.f32 v54;
	v58 =	vmul.f32 $1.741407810e-02, v29;
	v40 =	vsub.f32 $8.269123730e-02, v40  }
0x152: {  	v36 =	vmul.f32 v36, v30;
	v32 =	vadd.f32 $-1.903543320e-01, v32;
	(erf) = vrcp.f32 v42  }
0x153: {  	v59 =	vsub.f32 $8.269123730e-02, v43;
	v38 =	vmul.f32 v38, v37;
	v34 =	vadd.f32 $-1.903543320e-01, v34  }
0x154: {  	v31 =	vmul.f32 v31, v28;
	(erf) = vrcp.f32 v56;
	v35 =	vsub.f32 $8.269123730e-02, v58  }
0x155: {  	v40 =	vmul.f32 v40, v39;
	v36 =	vadd.f32 $-1.903543320e-01, v36;
	v32 =	vmul.f32 v32, v26  }
0x156: {  	v33 =	vmul.f32 v59, v41;
	v38 =	vadd.f32 $-1.903543320e-01, v38;
	v34 =	vmul.f32 v34, v27  }
0x157: {  	v31 =	vadd.f32 $3.157473210e-01, v31;
	v40 =	vadd.f32 $-1.903543320e-01, v40;
	v35 =	vmul.f32 v35, v29  }
0x158: {  	v36 =	vmul.f32 v36, v30;
	v60 =	vpop (erf);
	v32 =	vadd.f32 $3.157473210e-01, v32;
	v33 =	vadd.f32 $-1.903543320e-01, v33  }
0x159: {  	v38 =	vmul.f32 v38, v37;
	v34 =	vadd.f32 $3.157473210e-01, v34;
	v48 =	vsub.f32 $1.000000000e+00, v60  }
0x15a: {  	v61 =	vpop (erf);
	v31 =	vmul.f32 v31, v28;
	v35 =	vadd.f32 $-1.903543320e-01, v35;
	v40 =	vmul.f32 v40, v39  }
0x15b: {  	v44 =	vpop (erf);
	v36 =	vadd.f32 $3.157473210e-01, v36;
	v47 =	vsub.f32 $1.000000000e+00, v61;
	v32 =	vmul.f32 v32, v26  }
0x15c: {  	v33 =	vmul.f32 v33, v41;
	v38 =	vadd.f32 $3.157473210e-01, v38;
	v51 =	vsub.f32 $1.000000000e+00, v44  }
0x15d: {  	v45 =	vpop (erf);
	v34 =	vmul.f32 v34, v27;
	v42 =	vsel vm0, v60, v48;
	v31 =	vadd.f32 $-4.973732230e-01, v31  }
0x15e: {  	v40 =	vadd.f32 $3.157473210e-01, v40;
	v50 =	vsub.f32 $1.000000000e+00, v45;
	v35 =	vmul.f32 v35, v29  }
0x15f: {  	v46 =	vpop (erf);
	v36 =	vmul.f32 v36, v30;
	v43 =	vsel vm1, v61, v47;
	v32 =	vadd.f32 $-4.973732230e-01, v32  }
0x160: {  	v33 =	vadd.f32 $3.157473210e-01, v33;
	v53 =	vsub.f32 $1.000000000e+00, v46;
	v38 =	vmul.f32 v38, v37  }
0x161: {  	v49 =	vpop (erf);
	v44 =	vsel vm2, v44, v51;
	v34 =	vadd.f32 $-4.973732230e-01, v34;
	v43 =	vmul.f32 v43, v43  }
0x162: {  	v31 =	vmul.f32 v31, v28;
	v52 =	vsub.f32 $1.000000000e+00, v49;
	v33 =	vmul.f32 v33, v41  }
0x163: {  	v35 =	vadd.f32 $3.157473210e-01, v35;
	v40 =	vmul.f32 v40, v39;
	v45 =	vsel vm3, v45, v50  }
0x164: {  	v54 =	vpop (erf);
	v44 =	vmul.f32 v44, v44;
	v36 =	vadd.f32 $-4.973732230e-01, v36;
	v33 =	vadd.f32 $-4.973732230e-01, v33  }
0x165: {  	v32 =	vmul.f32 v32, v26;
	v55 =	vsub.f32 $1.000000000e+00, v54;
	v46 =	vsel vm4, v46, v53  }
0x166: {  	v45 =	vmul.f32 v45, v45;
	v40 =	vadd.f32 $-4.973732230e-01, v40;
	v33 =	vmul.f32 v33, v41  }
0x167: {  	v38 =	vadd.f32 $-4.973732230e-01, v38;
	v34 =	vmul.f32 v34, v27;
	v31 =	vadd.f32 $9.998477100e-01, v31  }
0x168: {  	v35 =	vmul.f32 v35, v29;
	v40 =	vmul.f32 v40, v39;
	v33 =	vadd.f32 $9.998477100e-01, v33  }
0x169: {  	v62 =	vsel vm7, v49, v52;
	v46 =	vmul.f32 v46, v46;
	v36 =	vmul.f32 v36, v30  }
0x16a: {  	v38 =	vmul.f32 v38, v37;
	v40 =	vadd.f32 $9.998477100e-01, v40;
	v33 =	vmul.f32 v33, v41  }
0x16b: {  	v32 =	vadd.f32 $9.998477100e-01, v32;
	v63 =	vsel vm6, v54, v55;
	v48 =	vmul.f32 v62, v62  }
0x16c: {  	v38 =	vadd.f32 $9.998477100e-01, v38;
	v39 =	vmul.f32 v40, v39;
	v33 =	vadd.f32 $1.472065040e-06, v33  }
0x16d: {  	v34 =	vadd.f32 $9.998477100e-01, v34;
	v49 =	vmul.f32 v63, v63;
	v36 =	vadd.f32 $9.998477100e-01, v36  }
0x16e: {  	v37 =	vmul.f32 v38, v37;
	v50 =	vadd.f32 $1.472065040e-06, v39;
	v18 =	vadd.f32 v33, v18  }
0x16f: {  	v35 =	vadd.f32 $-4.973732230e-01, v35;
	v53 =	vmul.f32 v32, v26;
	v30 =	vmul.f32 v36, v30  }
0x170: {  	v51 =	vadd.f32 $1.472065040e-06, v37;
	v52 =	vadd.f32 v50, v25;
	v17 =	vmul.f32 v18, v17  }
0x171: {  	v27 =	vmul.f32 v34, v27;
	v59 =	vadd.f32 $1.472065040e-06, v53;
	v54 =	vadd.f32 $1.472065040e-06, v30  }
0x172: {  	v24 =	vadd.f32 v51, v24;
	v16 =	vmul.f32 v52, v16;
	v17 =	vmul.f32 v17, v49  }
0x173: {  	v35 =	vmul.f32 v35, v29;
	v57 =	vadd.f32 $1.472065040e-06, v27;
	v23 =	vadd.f32 v54, v23  }
0x174: {  	v15 =	vmul.f32 v24, v15;
	v10 =	vmul.f32 v16, v48;
	v2 =	vadd.f32 v17, v2  }
0x175: {  	v28 =	vmul.f32 v31, v28;
	v35 =	vadd.f32 $9.998477100e-01, v35;
	v58 =	vadd.f32 v57, v22  }
0x176: {  	v14 =	vmul.f32 v23, v14;
	v7 =	vmul.f32 v15, v46;
	v2 =	vadd.f32 v10, v2  }
0x177: {  	v55 =	vadd.f32 $1.472065040e-06, v28;
	v60 =	vadd.f32 v59, v21;
	v61 =	vmul.f32 v35, v29  }
0x178: {  	v56 =	vpop (erf);
	v10 =	vmul.f32 v58, v13;
	v2 =	vadd.f32 v7, v2;
	v7 =	vmul.f32 v14, v45  }
0x179: {  	v47 =	vsub.f32 $1.000000000e+00, v56;
	v62 =	vadd.f32 v55, v20;
	v9 =	vmul.f32 v60, v12  }
0x17a: {  	v63 =	vadd.f32 $1.472065040e-06, v61;
	v2 =	vadd.f32 v7, v2;
	v7 =	vmul.f32 v10, v44  }
0x17b: {  	v42 =	vmul.f32 v42, v42;
	v8 =	vsel vm8, v56, v47;
	v5 =	vmul.f32 v62, v5  }
0x17c: {  	v6 =	vmul.f32 v9, v43;
	v10 =	vadd.f32 v63, v19;
	v2 =	vadd.f32 v7, v2  }
0x17d: {  	v3 =	vadd.f32 v4, v3;
	v8 =	vmul.f32 v8, v8;
	v7 =	vsel vm14, $0x3E800000, v0  }
0x17e: {  	v5 =	vmul.f32 v5, v42;
	v4 =	vmul.f32 v10, v7;
	v2 =	vadd.f32 v6, v2  }
.Ltmp4:
0x17f: {  	_ = 	snop;
	(pc) =	sbr.rel @p0 .LBB2_8-.Ltmp4, $3  }
0x180: {  	v1 =	vadd.f32 v1, v3;
	v3 =	vmul.f32 v4, v8;
	v2 =	vadd.f32 v5, v2;
	_ =	sdelay $0x1  }
0x181: {  	v9 =	vadd.f32 v3, v2  }
0x182: {  	v6 =	vadd.f32 v11, v1  }
0x183: {  	s24 =	sadd.s32 s24, s11  }
.Ltmp5:
0x184: {  	s24 =	sshrl.u32 s24, $0x3;
	(pc) =	sbr.rel .LBB2_2-.Ltmp5, $4  }
0x185: {  	s25 =	sadd.s32 s1, s24  }
0x186: {  	[tilespmem:s15], [sflag:$0x2] =	stream.linear.gather [hbm4b:s25+s4], $0x4000, $0x38;
	[tilespmem:$0x10080] =	vst v63  }
0x187: {  	s23 =	sadd.s32 $0x1, s23;
	s24 =	sadd.s32 s3, s24  }
0x188: {  	[tilespmem:s16], [sflag:$0x2] =	stream.linear.gather [hbm4b:s24+s4], $0x4000, $0x38;
	[tilespmem:$0x10080] =	vst v63  }
.LBB2_9:
0x189: {  	_ =	sfence.sel $0x180000  }
0x18a: {  	[bflag:$0x0] =	sbarrier.arrive $0xFFFF  }
0x18b: {  	p0 =	sne.s32 s2, $0x0;
	_ =	strace $0x90000047  }
0x18c: {  	s0 =	sadd.s32 @!p0 $0x100000, s0;
	[bflag:$0x2] =	sbarrier.arrive $0xFFFF  }
0x18d: {  	[sflag:s0] =	ssyncadd.tile.s32 @!p0 $0x1;
	_ =	shalt  }
.Lfunc_end2:
_tile_overlayer_lowered:
.L_overlay_start_2:
0x18e: {  	(tag) =	ssettag $0x2  }
0x18f: {  	s0 =	rddreg [dreg:$0x0];
	s2 =	stileid.u32  }
0x190: {  	s1 =	rddreg [dreg:$0x1];
	p0 =	sne.s32 s2, $0x0  }
0x191: {  	s3 =	rddreg [dreg:$0x2];
	[bflag:$0x3] =	sbarrier.arrive $0xFFFF;
	s2 =	simm.s32 @!p0 $0x1C03  }
0x192: {  	[timem:s3], [sflag:s2] =	dma.local @!p0 [hbm:s0], s1  }
0x193: {  	s0 =	simm.s32 @!p0 $0x3  }
0x194: {  	_ =	swait.ge @!p0 [sflag:s0], s1  }
0x195: {  	s1 =	ssub.s32 @!p0 $0x0, s1;
	[sflag:s0] =	ssyncset.done @!p0 $0x0  }
0x196: {  	[sflag:s0] =	ssyncadd.s32 @!p0 s1  }
0x197: {  	[bflag:$0x3] =	sbarrier.arrive $0xFFFF  }
0x198: {  	_ =	shalt  }

</sc_bundles>
